<compile_context>
chip_gen: v7x
topology: tpu7x:2x2x1
jax: 0.10.2.dev20260603
libtpu: 0.0.44.dev20260713+nightly
codegen_flags: <defaults>
</compile_context>

<pallas_src>
import functools

import jax
import jax.numpy as jnp
import numpy as np
from jax import lax
from jax.experimental import pallas as pl
from jax.experimental.pallas import tpu as pltpu
from jax.experimental.pallas import tpu_sc as plsc

_CUTOFF = 5.0
_NC = 2
_NS = 16
_NW = _NC * _NS
_CH = 128


def _tgather_kernel(NCH, nt_hbm, ei_hbm, d_hbm, t_hbm, d2_hbm, nt_v, ei_v,
                    t_v, d_v):
    c = lax.axis_index("c")
    s = lax.axis_index("s")
    w = s * _NC + c
    n_even = NCH // _NW
    n_extra = NCH - n_even * _NW
    chunk0 = w * n_even + jnp.minimum(w, n_extra)
    pltpu.sync_copy(nt_hbm, nt_v)

    def gathered(base, cnt):
        pltpu.sync_copy(ei_hbm.at[:, pl.ds(base, cnt)],
                        ei_v.at[:, pl.ds(0, cnt)])

        def body(i, carry):
            idx = ei_v[0, pl.ds(i * 16, 16)]
            t_v[pl.ds(i * 16, 16)] = plsc.load_gather(nt_v, [idx])
            return carry

        lax.fori_loop(0, cnt // 16, body, 0)
        pltpu.sync_copy(t_v.at[pl.ds(0, cnt)], t_hbm.at[0, pl.ds(base, cnt)])
        pltpu.sync_copy(d_hbm.at[pl.ds(base, cnt)], d_v.at[pl.ds(0, cnt)])
        pltpu.sync_copy(d_v.at[pl.ds(0, cnt)], d2_hbm.at[0, pl.ds(base, cnt)])

    gathered(chunk0 * _CH, n_even * _CH)

    @pl.when(w < n_extra)
    def _():
        gathered((chunk0 + n_even) * _CH, _CH)


def _msg_kernel(BE, rbfT_ref, t_ref, dist_ref, WeT_ref, be_ref, embp_ref, out_ref):
    t = t_ref[...]
    d = dist_ref[...]
    w = 0.5 * (jnp.cos(d * (np.pi / _CUTOFF)) + 1.0)
    w = w * (d < _CUTOFF).astype(jnp.float32)
    onehot_t = (t == lax.broadcasted_iota(jnp.int32, (128, BE), 0)).astype(
        jnp.float32)
    onehot_t = onehot_t * w
    emb_rows_w = lax.dot_general(
        onehot_t, embp_ref[...], (((0,), (0,)), ((), ())),
        preferred_element_type=jnp.float32)
    xe = lax.dot_general(
        rbfT_ref[...], WeT_ref[...], (((0,), (0,)), ((), ())),
        preferred_element_type=jnp.float32)
    xe = xe + be_ref[...]
    out_ref[...] = emb_rows_w * xe


def _scatter_kernel(NCH, N, D, msg_hbm, dst_hbm, out_hbm, dst_v, msg_v, acc,
                    sem0, sem1):
    sem = [sem0, sem1]
    c = lax.axis_index("c")
    s = lax.axis_index("s")
    w = c * _NS + s
    zr = 624
    tail = N - zr * _NS

    def zb(i, carry):
        msg_v[0, i // (D // 16), pl.ds((i % (D // 16)) * 16, 16)] = jnp.zeros(
            (16,), jnp.float32)
        return carry

    lax.fori_loop(0, _CH * (D // 16), zb, 0)
    for kz in range(4):
        pltpu.sync_copy(msg_v.at[0], acc.at[pl.ds(s * zr + kz * _CH, _CH)])
    pltpu.sync_copy(msg_v.at[0, pl.ds(0, zr - 4 * _CH)],
                    acc.at[pl.ds(s * zr + 4 * _CH, zr - 4 * _CH)])

    @pl.when(s == 0)
    def _():
        pltpu.sync_copy(msg_v.at[0, pl.ds(0, tail)],
                        acc.at[pl.ds(_NS * zr, tail)])

    plsc.subcore_barrier()

    n_even = NCH // _NW
    n_extra = NCH - n_even * _NW
    chunk0 = w * n_even + jnp.minimum(w, n_extra)

    def mkmsg(k, b):
        return pltpu.make_async_copy(
            msg_hbm.at[pl.ds((chunk0 + k) * _CH, _CH)], msg_v.at[b], sem[b])

    def mkdst(k, b):
        return pltpu.make_async_copy(
            dst_hbm.at[:, pl.ds((chunk0 + k) * _CH, _CH)], dst_v.at[b], sem[b])

    for b in range(2):
        mkmsg(b, b).start()
        mkdst(b, b).start()

    def body(k2, carry):
        for b in range(2):
            k = k2 * 2 + b
            mkmsg(k, b).wait()
            mkdst(k, b).wait()
            pltpu.sync_copy(msg_v.at[b], acc.at[dst_v.at[b, 1]], add=True)
            nk = jnp.minimum(k + 2, n_even - 1)
            mkmsg(nk, b).start()
            mkdst(nk, b).start()
        return carry

    lax.fori_loop(0, n_even // 2, body, 0)
    for b in range(2):
        mkmsg(0, b).wait()
        mkdst(0, b).wait()

    @pl.when(w < n_extra)
    def _():
        base = (chunk0 + n_even) * _CH
        pltpu.sync_copy(dst_hbm.at[:, pl.ds(base, _CH)], dst_v.at[0])
        pltpu.sync_copy(msg_hbm.at[pl.ds(base, _CH)], msg_v.at[0])
        pltpu.sync_copy(msg_v.at[0], acc.at[dst_v.at[0, 1]], add=True)

    plsc.subcore_barrier()

    pltpu.sync_copy(acc.at[pl.ds(s * zr, zr)],
                    out_hbm.at[pl.ds(c * N + s * zr, zr)])

    @pl.when(s == 0)
    def _():
        pltpu.sync_copy(acc.at[pl.ds(_NS * zr, tail)],
                        out_hbm.at[pl.ds(c * N + _NS * zr, tail)])


def _comb_kernel(xn_ref, p0_ref, p1_ref, Wc1T_ref, Wc2T_ref, bc_ref, out_ref):
    ps = p0_ref[...] + p1_ref[...]
    out_ref[...] = (
        jnp.dot(xn_ref[...], Wc1T_ref[...], preferred_element_type=jnp.float32)
        + jnp.dot(ps, Wc2T_ref[...], preferred_element_type=jnp.float32)
        + bc_ref[...]
    )


def kernel(x_nodes, node_type, edge_index, rbf_edges, dist, emb_table,
           W_edge, b_edge, W_comb, b_comb):
    N, D = x_nodes.shape
    E = edge_index.shape[1]
    n_rbf = rbf_edges.shape[1]
    n_elem = emb_table.shape[0]

    ei = edge_index.astype(jnp.int32)
    emb_pad = jnp.zeros((128, D), emb_table.dtype).at[:n_elem].set(emb_table)

    mesh = plsc.VectorSubcoreMesh(core_axis_name="c", subcore_axis_name="s")

    NCH = E // _CH
    EW = (NCH // _NW) * _CH
    t, dist2 = pl.kernel(
        functools.partial(_tgather_kernel, NCH),
        out_type=[jax.ShapeDtypeStruct((1, E), jnp.int32),
                  jax.ShapeDtypeStruct((1, E), jnp.float32)],
        mesh=mesh,
        scratch_types=[
            pltpu.VMEM((N,), jnp.int32),
            pltpu.VMEM((2, EW), jnp.int32),
            pltpu.VMEM((EW,), jnp.int32),
            pltpu.VMEM((EW,), jnp.float32),
        ],
        compiler_params=pltpu.CompilerParams(needs_layout_passes=False),
    )(node_type.astype(jnp.int32), ei, dist)

    BE = 3200
    msg = pl.pallas_call(
        functools.partial(_msg_kernel, BE),
        grid=(E // BE,),
        in_specs=[
            pl.BlockSpec((n_rbf, BE), lambda i: (0, i)),
            pl.BlockSpec((1, BE), lambda i: (0, i)),
            pl.BlockSpec((1, BE), lambda i: (0, i)),
            pl.BlockSpec((n_rbf, D), lambda i: (0, 0)),
            pl.BlockSpec((1, D), lambda i: (0, 0)),
            pl.BlockSpec((128, D), lambda i: (0, 0)),
        ],
        out_specs=pl.BlockSpec((BE, D), lambda i: (i, 0)),
        out_shape=jax.ShapeDtypeStruct((E, D), jnp.float32),
    )(rbf_edges.T, t, dist2, W_edge.T, b_edge.reshape(1, D), emb_pad)

    partials = pl.kernel(
        functools.partial(_scatter_kernel, NCH, N, D),
        out_type=jax.ShapeDtypeStruct((_NC * N, D), jnp.float32),
        mesh=mesh,
        scratch_types=[
            pltpu.VMEM((2, 2, _CH), jnp.int32),
            pltpu.VMEM((2, _CH, D), jnp.float32),
            pltpu.VMEM_SHARED((N, D), jnp.float32),
            pltpu.SemaphoreType.DMA,
            pltpu.SemaphoreType.DMA,
        ],
    )(msg, ei)

    BN = 2000
    nb = N // BN
    out = pl.pallas_call(
        _comb_kernel,
        grid=(nb,),
        in_specs=[
            pl.BlockSpec((BN, D), lambda i: (i, 0)),
            pl.BlockSpec((BN, D), lambda i: (i, 0)),
            pl.BlockSpec((BN, D), lambda i, nb=nb: (i + nb, 0)),
            pl.BlockSpec((D, D), lambda i: (0, 0)),
            pl.BlockSpec((D, D), lambda i: (0, 0)),
            pl.BlockSpec((1, D), lambda i: (0, 0)),
        ],
        out_specs=pl.BlockSpec((BN, D), lambda i: (i, 0)),
        out_shape=jax.ShapeDtypeStruct((N, D), jnp.float32),
    )(x_nodes, partials, partials, W_comb[:, :D].T, W_comb[:, D:].T,
      b_comb.reshape(1, D))

    return out

# --- scband reference (transcript-rebuilt; emitter-appended) ---
"""Pipeline reference for scband-neighbor-embedding-39651138076968 (READ-ONLY COPY).

The authoritative reference and input builder live on the scoring server;
editing this copy changes nothing except your own understanding.
"""

import jax, jax.numpy as jnp
import numpy as np

N, E, D, N_RBF, N_ELEM = 10000, 320000, 128, 16, 100
CUTOFF = 5.0


def setup_inputs(seed: int = 0) -> dict:
    key = jax.random.key(seed)
    ks = jax.random.split(key, 10)
    x_nodes = jax.random.normal(ks[0], (N, D), dtype=jnp.float32)
    node_type = jax.random.randint(ks[1], (N,), 0, N_ELEM, dtype=jnp.int64 if jax.config.read('jax_enable_x64') else jnp.int32)
    edge_index = jax.random.randint(ks[2], (2, E), 0, N, dtype=jnp.int64 if jax.config.read('jax_enable_x64') else jnp.int32)
    rbf_edges = jax.random.normal(ks[3], (E, N_RBF), dtype=jnp.float32)
    dist = jax.random.uniform(ks[4], (E,), dtype=jnp.float32) * CUTOFF
    # learned parameters
    emb_table = jax.random.normal(ks[5], (N_ELEM, D), dtype=jnp.float32) * 0.1   # neighbor_embedding.weight (xavier-ish)
    W_edge = jax.random.normal(ks[6], (D, N_RBF), dtype=jnp.float32) * (1.0 / np.sqrt(N_RBF))
    b_edge = jnp.zeros((D,), dtype=jnp.float32)
    W_comb = jax.random.normal(ks[7], (D, 2 * D), dtype=jnp.float32) * (1.0 / np.sqrt(2 * D))
    b_comb = jnp.zeros((D,), dtype=jnp.float32)
    return {
        'x_nodes': x_nodes,
        'node_type': node_type,
        'edge_index': edge_index,
        'rbf_edges': rbf_edges,
        'dist': dist,
        'emb_table': emb_table,
        'W_edge': W_edge,
        'b_edge': b_edge,
        'W_comb': W_comb,
        'b_comb': b_comb,
    }


def _cosine_cutoff(dist, cutoff):
    w = 0.5 * (jnp.cos(dist * jnp.pi / cutoff) + 1.0)
    return w * (dist < cutoff).astype(dist.dtype)


def reference(x_nodes, node_type, edge_index, rbf_edges, dist, emb_table, W_edge, b_edge, W_comb, b_comb):
    # apply_nodes: x_neighbors = Embedding(node_type)
    x_neighbors = jnp.take(emb_table, node_type, axis=0)                 # [N, D] gather
    # apply_edges: x_edges = Linear(rbf_edges) * cutoff(dist)
    x_edges = rbf_edges @ W_edge.T + b_edge                              # [E, D]
    w_edges = _cosine_cutoff(dist, CUTOFF)[:, None]                      # [E, 1]
    x_edges = x_edges * w_edges
    # update_all: u_mul_e then sum over dst
    src = edge_index[0]
    dst = edge_index[1]
    msg = jnp.take(x_neighbors, src, axis=0) * x_edges                   # [E, D] gather + mul
    x_integrated = jax.ops.segment_sum(msg, dst, num_segments=x_nodes.shape[0])  # scatter-add
    # apply_nodes: combine
    x_combine = jnp.concatenate([x_nodes, x_integrated], axis=-1)        # [N, 2D]
    x_combined = x_combine @ W_comb.T + b_comb                           # [N, D]
    return x_combined

if __name__ == "__main__":
    import jax
    _d = setup_inputs()
    print(jax.jit(kernel)(*tuple(_d.values())))

</pallas_src>

<mosaic_0001>
#map = affine_map<(d0, d1) -> (0, 0)>
module attributes {stable_mosaic.version = 14 : i64} {
  func.func @_scatter_kernel(%arg0: i32, %arg1: i32, %arg2: memref<320000x128xf32, #tpu.memory_space<hbm>>, %arg3: memref<2x320000xi32, #tpu.memory_space<hbm>>, %arg4: memref<20000x128xf32, #tpu.memory_space<hbm>>, %arg5: memref<2x2x128xi32, #tpu.memory_space<vmem>>, %arg6: memref<2x128x128xf32, #tpu.memory_space<vmem>>, %arg7: memref<10000x128xf32, #tpu.memory_space<vmem_shared>>, %arg8: memref<!tpu.dma_semaphore, #tpu.memory_space<semaphore_mem>>, %arg9: memref<!tpu.dma_semaphore, #tpu.memory_space<semaphore_mem>>) attributes {dimension_semantics = [#tpu.dimension_semantics<core_parallel>, #tpu.dimension_semantics<subcore_parallel>], iteration_bounds = array<i64: 2, 16>, scalar_prefetch = 0 : i64, scratch_operands = 5 : i64, tpu.core_type = #tpu.core_type<sc_vector_subcore>, window_params = [{transform_indices = #map}, {transform_indices = #map}, {transform_indices = #map}]} {
    %mul3A = arith.constant 16 : i32
    %mul3A_0 = arith.muli %arg0, %mul3A : i32
    %add3A = arith.addi %mul3A_0, %arg1 : i32
    %scan3A = arith.constant 0 : i32
    %scan3A_1 = arith.constant 0 : i32
    %scan3A_2 = arith.constant 1024 : i32
    %scan3A_3 = arith.addi %scan3A_1, %scan3A_2 : i32
    %scan3A_4 = arith.constant 1 : i32
    scf.for %scan3A_193 = %scan3A_1 to %scan3A_3 step %scan3A_4  : i32 {
      %broadcast_in_dim3A = arith.constant 0.000000e+00 : f32
      %broadcast_in_dim3A_194 = vector.broadcast %broadcast_in_dim3A : f32 to vector<16xf32>
      %jit3A = arith.constant 8 : i32
      %div3A = arith.divsi %scan3A_193, %jit3A : i32
      %sign3A = arith.constant 0 : i32
      %sign3A_195 = arith.cmpi sgt, %scan3A_193, %sign3A : i32
      %sign3A_196 = arith.extui %sign3A_195 : i1 to i32
      %sign3A_197 = arith.constant 0 : i32
      %sign3A_198 = arith.cmpi slt, %scan3A_193, %sign3A_197 : i32
      %sign3A_199 = arith.extui %sign3A_198 : i1 to i32
      %sign3A_200 = arith.subi %sign3A_196, %sign3A_199 : i32
      %sign3A_201 = arith.constant 0 : i32
      %sign3A_202 = arith.cmpi sgt, %jit3A, %sign3A_201 : i32
      %sign3A_203 = arith.extui %sign3A_202 : i1 to i32
      %sign3A_204 = arith.constant 0 : i32
      %sign3A_205 = arith.cmpi slt, %jit3A, %sign3A_204 : i32
      %sign3A_206 = arith.extui %sign3A_205 : i1 to i32
      %sign3A_207 = arith.subi %sign3A_203, %sign3A_206 : i32
      %ne3A = arith.cmpi ne, %sign3A_200, %sign3A_207 : i32
      %rem3A = arith.remsi %scan3A_193, %jit3A : i32
      %ne3A_208 = arith.constant 0 : i32
      %ne3A_209 = arith.cmpi ne, %rem3A, %ne3A_208 : i32
      %and3A = arith.andi %ne3A, %ne3A_209 : i1
      %sub3A = arith.constant 1 : i32
      %sub3A_210 = arith.subi %div3A, %sub3A : i32
      %select_n3A = arith.select %and3A, %sub3A_210, %div3A : i32
      %jit3A_211 = arith.constant 8 : i32
      %eq3A_212 = arith.constant 0 : i32
      %eq3A_213 = arith.cmpi eq, %jit3A_211, %eq3A_212 : i32
      %jit3A_214 = arith.constant 1 : i32
      %select_n3A_215 = arith.select %eq3A_213, %jit3A_214, %jit3A_211 : i32
      %rem3A_216 = arith.remsi %scan3A_193, %select_n3A_215 : i32
      %ne3A_217 = arith.constant 0 : i32
      %ne3A_218 = arith.cmpi ne, %rem3A_216, %ne3A_217 : i32
      %lt3A_219 = arith.constant 0 : i32
      %lt3A_220 = arith.cmpi slt, %rem3A_216, %lt3A_219 : i32
      %lt3A_221 = arith.constant 0 : i32
      %lt3A_222 = arith.cmpi slt, %select_n3A_215, %lt3A_221 : i32
      %ne3A_223 = arith.xori %lt3A_220, %lt3A_222 : i1
      %and3A_224 = arith.andi %ne3A_223, %ne3A_218 : i1
      %add3A_225 = arith.addi %rem3A_216, %select_n3A_215 : i32
      %select_n3A_226 = arith.select %and3A_224, %add3A_225, %rem3A_216 : i32
      %mul3A_227 = arith.constant 16 : i32
      %mul3A_228 = arith.muli %select_n3A_226, %mul3A_227 : i32
      %swap3A = arith.constant 0 : i32
      %swap3A_229 = arith.index_cast %swap3A : i32 to index
      %swap3A_230 = arith.index_cast %select_n3A : i32 to index
      %swap3A_231 = arith.index_cast %mul3A_228 : i32 to index
      %swap3A_232 = tpu.vector_load %arg6[%swap3A_229, %swap3A_230, %swap3A_231] {strides = array<i32>} : memref<2x128x128xf32, #tpu.memory_space<vmem>>, vector<1x1x16xf32>,
      %swap3A_233 = vector.shape_cast %swap3A_232 : vector<1x1x16xf32> to vector<16xf32>
      %swap3A_234 = vector.shape_cast %broadcast_in_dim3A_194 : vector<16xf32> to vector<1x1x16xf32>
      tpu.vector_store %arg6[%swap3A_229, %swap3A_230, %swap3A_231], %swap3A_234 {strides = array<i32>} : memref<2x128x128xf32, #tpu.memory_space<vmem>>, vector<1x1x16xf32>,
    }
    %scan3A_5 = arith.constant 1024 : i32
    %mul3A_6 = arith.constant 624 : i32
    %mul3A_7 = arith.muli %arg1, %mul3A_6 : i32
    %add3A_8 = arith.constant 0 : i32
    %add3A_9 = arith.addi %mul3A_7, %add3A_8 : i32
    %run_scoped3A = arith.constant 0 : i32
    "tpu.region"() ({
      %run_scoped3A_193 = tpu.sem_alloc : memref<!tpu.dma_semaphore, #tpu.memory_space<semaphore_mem>>
      %dma_start3A_194 = arith.constant 0 : i32
      %dma_start3A_195 = arith.constant 0 : i32
      %dma_start3A_196 = tpu.memref_slice %arg6[%run_scoped3A, %dma_start3A_194, %dma_start3A_195] : memref<2x128x128xf32, #tpu.memory_space<vmem>> -> memref<1x128x128xf32, #tpu.memory_space<vmem>>
      %dma_start3A_197 = tpu.memref_squeeze %dma_start3A_196 : memref<1x128x128xf32, #tpu.memory_space<vmem>> -> memref<128x128xf32, #tpu.memory_space<vmem>>
      %dma_start3A_198 = arith.constant 0 : i32
      %dma_start3A_199 = tpu.memref_slice %arg7[%add3A_9, %dma_start3A_198] : memref<10000x128xf32, #tpu.memory_space<vmem_shared>> -> memref<128x128xf32, #tpu.memory_space<vmem_shared>>
      %dma_start3A_200 = arith.constant 0 : i32
      %dma_start3A_201 = tpu.memref_slice %arg7[%add3A_9, %dma_start3A_200] : memref<10000x128xf32, #tpu.memory_space<vmem_shared>> -> memref<128x128xf32, #tpu.memory_space<vmem_shared>>
      %dma_start3A_202 = arith.constant 0 : i32
      %dma_start3A_203 = arith.constant 0 : i32
      %dma_start3A_204 = tpu.memref_slice %arg6[%run_scoped3A, %dma_start3A_202, %dma_start3A_203] : memref<2x128x128xf32, #tpu.memory_space<vmem>> -> memref<1x128x128xf32, #tpu.memory_space<vmem>>
      %dma_start3A_205 = tpu.memref_squeeze %dma_start3A_204 : memref<1x128x128xf32, #tpu.memory_space<vmem>> -> memref<128x128xf32, #tpu.memory_space<vmem>>
      tpu.enqueue_dma source(%dma_start3A_205 : memref<128x128xf32, #tpu.memory_space<vmem>>) target(%dma_start3A_201 : memref<128x128xf32, #tpu.memory_space<vmem_shared>>) target_semaphore(%run_scoped3A_193 : memref<!tpu.dma_semaphore, #tpu.memory_space<semaphore_mem>>)
      %dma_wait3A_206 = arith.constant 0 : i32
      %dma_wait3A_207 = arith.constant 0 : i32
      %dma_wait3A_208 = tpu.memref_slice %arg6[%run_scoped3A, %dma_wait3A_206, %dma_wait3A_207] : memref<2x128x128xf32, #tpu.memory_space<vmem>> -> memref<1x128x128xf32, #tpu.memory_space<vmem>>
      %dma_wait3A_209 = tpu.memref_squeeze %dma_wait3A_208 : memref<1x128x128xf32, #tpu.memory_space<vmem>> -> memref<128x128xf32, #tpu.memory_space<vmem>>
      %dma_wait3A_210 = arith.constant 0 : i32
      %dma_wait3A_211 = tpu.memref_slice %arg7[%add3A_9, %dma_wait3A_210] : memref<10000x128xf32, #tpu.memory_space<vmem_shared>> -> memref<128x128xf32, #tpu.memory_space<vmem_shared>>
      %dma_wait3A_212 = arith.constant 0 : i32
      %dma_wait3A_213 = tpu.memref_slice %arg7[%add3A_9, %dma_wait3A_212] : memref<10000x128xf32, #tpu.memory_space<vmem_shared>> -> memref<128x128xf32, #tpu.memory_space<vmem_shared>>
      %dma_wait3A_214 = arith.constant 0 : i32
      %dma_wait3A_215 = arith.constant 0 : i32
      %dma_wait3A_216 = tpu.memref_slice %arg6[%run_scoped3A, %dma_wait3A_214, %dma_wait3A_215] : memref<2x128x128xf32, #tpu.memory_space<vmem>> -> memref<1x128x128xf32, #tpu.memory_space<vmem>>
      %dma_wait3A_217 = tpu.memref_squeeze %dma_wait3A_216 : memref<1x128x128xf32, #tpu.memory_space<vmem>> -> memref<128x128xf32, #tpu.memory_space<vmem>>
      tpu.wait_dma2 semaphore(%run_scoped3A_193 : memref<!tpu.dma_semaphore, #tpu.memory_space<semaphore_mem>>) src(%dma_wait3A_217 : memref<128x128xf32, #tpu.memory_space<vmem>>) dst(%dma_wait3A_213 : memref<128x128xf32, #tpu.memory_space<vmem_shared>>)
      tpu.yield
    }) : () -> ()
    %mul3A_10 = arith.constant 624 : i32
    %mul3A_11 = arith.muli %arg1, %mul3A_10 : i32
    %add3A_12 = arith.constant 128 : i32
    %add3A_13 = arith.addi %mul3A_11, %add3A_12 : i32
    %run_scoped3A_14 = arith.constant 0 : i32
    "tpu.region"() ({
      %run_scoped3A_193 = tpu.sem_alloc : memref<!tpu.dma_semaphore, #tpu.memory_space<semaphore_mem>>
      %dma_start3A_194 = arith.constant 0 : i32
      %dma_start3A_195 = arith.constant 0 : i32
      %dma_start3A_196 = tpu.memref_slice %arg6[%run_scoped3A_14, %dma_start3A_194, %dma_start3A_195] : memref<2x128x128xf32, #tpu.memory_space<vmem>> -> memref<1x128x128xf32, #tpu.memory_space<vmem>>
      %dma_start3A_197 = tpu.memref_squeeze %dma_start3A_196 : memref<1x128x128xf32, #tpu.memory_space<vmem>> -> memref<128x128xf32, #tpu.memory_space<vmem>>
      %dma_start3A_198 = arith.constant 0 : i32
      %dma_start3A_199 = tpu.memref_slice %arg7[%add3A_13, %dma_start3A_198] : memref<10000x128xf32, #tpu.memory_space<vmem_shared>> -> memref<128x128xf32, #tpu.memory_space<vmem_shared>>
      %dma_start3A_200 = arith.constant 0 : i32
      %dma_start3A_201 = tpu.memref_slice %arg7[%add3A_13, %dma_start3A_200] : memref<10000x128xf32, #tpu.memory_space<vmem_shared>> -> memref<128x128xf32, #tpu.memory_space<vmem_shared>>
      %dma_start3A_202 = arith.constant 0 : i32
      %dma_start3A_203 = arith.constant 0 : i32
      %dma_start3A_204 = tpu.memref_slice %arg6[%run_scoped3A_14, %dma_start3A_202, %dma_start3A_203] : memref<2x128x128xf32, #tpu.memory_space<vmem>> -> memref<1x128x128xf32, #tpu.memory_space<vmem>>
      %dma_start3A_205 = tpu.memref_squeeze %dma_start3A_204 : memref<1x128x128xf32, #tpu.memory_space<vmem>> -> memref<128x128xf32, #tpu.memory_space<vmem>>
      tpu.enqueue_dma source(%dma_start3A_205 : memref<128x128xf32, #tpu.memory_space<vmem>>) target(%dma_start3A_201 : memref<128x128xf32, #tpu.memory_space<vmem_shared>>) target_semaphore(%run_scoped3A_193 : memref<!tpu.dma_semaphore, #tpu.memory_space<semaphore_mem>>)
      %dma_wait3A_206 = arith.constant 0 : i32
      %dma_wait3A_207 = arith.constant 0 : i32
      %dma_wait3A_208 = tpu.memref_slice %arg6[%run_scoped3A_14, %dma_wait3A_206, %dma_wait3A_207] : memref<2x128x128xf32, #tpu.memory_space<vmem>> -> memref<1x128x128xf32, #tpu.memory_space<vmem>>
      %dma_wait3A_209 = tpu.memref_squeeze %dma_wait3A_208 : memref<1x128x128xf32, #tpu.memory_space<vmem>> -> memref<128x128xf32, #tpu.memory_space<vmem>>
      %dma_wait3A_210 = arith.constant 0 : i32
      %dma_wait3A_211 = tpu.memref_slice %arg7[%add3A_13, %dma_wait3A_210] : memref<10000x128xf32, #tpu.memory_space<vmem_shared>> -> memref<128x128xf32, #tpu.memory_space<vmem_shared>>
      %dma_wait3A_212 = arith.constant 0 : i32
      %dma_wait3A_213 = tpu.memref_slice %arg7[%add3A_13, %dma_wait3A_212] : memref<10000x128xf32, #tpu.memory_space<vmem_shared>> -> memref<128x128xf32, #tpu.memory_space<vmem_shared>>
      %dma_wait3A_214 = arith.constant 0 : i32
      %dma_wait3A_215 = arith.constant 0 : i32
      %dma_wait3A_216 = tpu.memref_slice %arg6[%run_scoped3A_14, %dma_wait3A_214, %dma_wait3A_215] : memref<2x128x128xf32, #tpu.memory_space<vmem>> -> memref<1x128x128xf32, #tpu.memory_space<vmem>>
      %dma_wait3A_217 = tpu.memref_squeeze %dma_wait3A_216 : memref<1x128x128xf32, #tpu.memory_space<vmem>> -> memref<128x128xf32, #tpu.memory_space<vmem>>
      tpu.wait_dma2 semaphore(%run_scoped3A_193 : memref<!tpu.dma_semaphore, #tpu.memory_space<semaphore_mem>>) src(%dma_wait3A_217 : memref<128x128xf32, #tpu.memory_space<vmem>>) dst(%dma_wait3A_213 : memref<128x128xf32, #tpu.memory_space<vmem_shared>>)
      tpu.yield
    }) : () -> ()
    %mul3A_15 = arith.constant 624 : i32
    %mul3A_16 = arith.muli %arg1, %mul3A_15 : i32
    %add3A_17 = arith.constant 256 : i32
    %add3A_18 = arith.addi %mul3A_16, %add3A_17 : i32
    %run_scoped3A_19 = arith.constant 0 : i32
    "tpu.region"() ({
      %run_scoped3A_193 = tpu.sem_alloc : memref<!tpu.dma_semaphore, #tpu.memory_space<semaphore_mem>>
      %dma_start3A_194 = arith.constant 0 : i32
      %dma_start3A_195 = arith.constant 0 : i32
      %dma_start3A_196 = tpu.memref_slice %arg6[%run_scoped3A_19, %dma_start3A_194, %dma_start3A_195] : memref<2x128x128xf32, #tpu.memory_space<vmem>> -> memref<1x128x128xf32, #tpu.memory_space<vmem>>
      %dma_start3A_197 = tpu.memref_squeeze %dma_start3A_196 : memref<1x128x128xf32, #tpu.memory_space<vmem>> -> memref<128x128xf32, #tpu.memory_space<vmem>>
      %dma_start3A_198 = arith.constant 0 : i32
      %dma_start3A_199 = tpu.memref_slice %arg7[%add3A_18, %dma_start3A_198] : memref<10000x128xf32, #tpu.memory_space<vmem_shared>> -> memref<128x128xf32, #tpu.memory_space<vmem_shared>>
      %dma_start3A_200 = arith.constant 0 : i32
      %dma_start3A_201 = tpu.memref_slice %arg7[%add3A_18, %dma_start3A_200] : memref<10000x128xf32, #tpu.memory_space<vmem_shared>> -> memref<128x128xf32, #tpu.memory_space<vmem_shared>>
      %dma_start3A_202 = arith.constant 0 : i32
      %dma_start3A_203 = arith.constant 0 : i32
      %dma_start3A_204 = tpu.memref_slice %arg6[%run_scoped3A_19, %dma_start3A_202, %dma_start3A_203] : memref<2x128x128xf32, #tpu.memory_space<vmem>> -> memref<1x128x128xf32, #tpu.memory_space<vmem>>
      %dma_start3A_205 = tpu.memref_squeeze %dma_start3A_204 : memref<1x128x128xf32, #tpu.memory_space<vmem>> -> memref<128x128xf32, #tpu.memory_space<vmem>>
      tpu.enqueue_dma source(%dma_start3A_205 : memref<128x128xf32, #tpu.memory_space<vmem>>) target(%dma_start3A_201 : memref<128x128xf32, #tpu.memory_space<vmem_shared>>) target_semaphore(%run_scoped3A_193 : memref<!tpu.dma_semaphore, #tpu.memory_space<semaphore_mem>>)
      %dma_wait3A_206 = arith.constant 0 : i32
      %dma_wait3A_207 = arith.constant 0 : i32
      %dma_wait3A_208 = tpu.memref_slice %arg6[%run_scoped3A_19, %dma_wait3A_206, %dma_wait3A_207] : memref<2x128x128xf32, #tpu.memory_space<vmem>> -> memref<1x128x128xf32, #tpu.memory_space<vmem>>
      %dma_wait3A_209 = tpu.memref_squeeze %dma_wait3A_208 : memref<1x128x128xf32, #tpu.memory_space<vmem>> -> memref<128x128xf32, #tpu.memory_space<vmem>>
      %dma_wait3A_210 = arith.constant 0 : i32
      %dma_wait3A_211 = tpu.memref_slice %arg7[%add3A_18, %dma_wait3A_210] : memref<10000x128xf32, #tpu.memory_space<vmem_shared>> -> memref<128x128xf32, #tpu.memory_space<vmem_shared>>
      %dma_wait3A_212 = arith.constant 0 : i32
      %dma_wait3A_213 = tpu.memref_slice %arg7[%add3A_18, %dma_wait3A_212] : memref<10000x128xf32, #tpu.memory_space<vmem_shared>> -> memref<128x128xf32, #tpu.memory_space<vmem_shared>>
      %dma_wait3A_214 = arith.constant 0 : i32
      %dma_wait3A_215 = arith.constant 0 : i32
      %dma_wait3A_216 = tpu.memref_slice %arg6[%run_scoped3A_19, %dma_wait3A_214, %dma_wait3A_215] : memref<2x128x128xf32, #tpu.memory_space<vmem>> -> memref<1x128x128xf32, #tpu.memory_space<vmem>>
      %dma_wait3A_217 = tpu.memref_squeeze %dma_wait3A_216 : memref<1x128x128xf32, #tpu.memory_space<vmem>> -> memref<128x128xf32, #tpu.memory_space<vmem>>
      tpu.wait_dma2 semaphore(%run_scoped3A_193 : memref<!tpu.dma_semaphore, #tpu.memory_space<semaphore_mem>>) src(%dma_wait3A_217 : memref<128x128xf32, #tpu.memory_space<vmem>>) dst(%dma_wait3A_213 : memref<128x128xf32, #tpu.memory_space<vmem_shared>>)
      tpu.yield
    }) : () -> ()
    %mul3A_20 = arith.constant 624 : i32
    %mul3A_21 = arith.muli %arg1, %mul3A_20 : i32
    %add3A_22 = arith.constant 384 : i32
    %add3A_23 = arith.addi %mul3A_21, %add3A_22 : i32
    %run_scoped3A_24 = arith.constant 0 : i32
    "tpu.region"() ({
      %run_scoped3A_193 = tpu.sem_alloc : memref<!tpu.dma_semaphore, #tpu.memory_space<semaphore_mem>>
      %dma_start3A_194 = arith.constant 0 : i32
      %dma_start3A_195 = arith.constant 0 : i32
      %dma_start3A_196 = tpu.memref_slice %arg6[%run_scoped3A_24, %dma_start3A_194, %dma_start3A_195] : memref<2x128x128xf32, #tpu.memory_space<vmem>> -> memref<1x128x128xf32, #tpu.memory_space<vmem>>
      %dma_start3A_197 = tpu.memref_squeeze %dma_start3A_196 : memref<1x128x128xf32, #tpu.memory_space<vmem>> -> memref<128x128xf32, #tpu.memory_space<vmem>>
      %dma_start3A_198 = arith.constant 0 : i32
      %dma_start3A_199 = tpu.memref_slice %arg7[%add3A_23, %dma_start3A_198] : memref<10000x128xf32, #tpu.memory_space<vmem_shared>> -> memref<128x128xf32, #tpu.memory_space<vmem_shared>>
      %dma_start3A_200 = arith.constant 0 : i32
      %dma_start3A_201 = tpu.memref_slice %arg7[%add3A_23, %dma_start3A_200] : memref<10000x128xf32, #tpu.memory_space<vmem_shared>> -> memref<128x128xf32, #tpu.memory_space<vmem_shared>>
      %dma_start3A_202 = arith.constant 0 : i32
      %dma_start3A_203 = arith.constant 0 : i32
      %dma_start3A_204 = tpu.memref_slice %arg6[%run_scoped3A_24, %dma_start3A_202, %dma_start3A_203] : memref<2x128x128xf32, #tpu.memory_space<vmem>> -> memref<1x128x128xf32, #tpu.memory_space<vmem>>
      %dma_start3A_205 = tpu.memref_squeeze %dma_start3A_204 : memref<1x128x128xf32, #tpu.memory_space<vmem>> -> memref<128x128xf32, #tpu.memory_space<vmem>>
      tpu.enqueue_dma source(%dma_start3A_205 : memref<128x128xf32, #tpu.memory_space<vmem>>) target(%dma_start3A_201 : memref<128x128xf32, #tpu.memory_space<vmem_shared>>) target_semaphore(%run_scoped3A_193 : memref<!tpu.dma_semaphore, #tpu.memory_space<semaphore_mem>>)
      %dma_wait3A_206 = arith.constant 0 : i32
      %dma_wait3A_207 = arith.constant 0 : i32
      %dma_wait3A_208 = tpu.memref_slice %arg6[%run_scoped3A_24, %dma_wait3A_206, %dma_wait3A_207] : memref<2x128x128xf32, #tpu.memory_space<vmem>> -> memref<1x128x128xf32, #tpu.memory_space<vmem>>
      %dma_wait3A_209 = tpu.memref_squeeze %dma_wait3A_208 : memref<1x128x128xf32, #tpu.memory_space<vmem>> -> memref<128x128xf32, #tpu.memory_space<vmem>>
      %dma_wait3A_210 = arith.constant 0 : i32
      %dma_wait3A_211 = tpu.memref_slice %arg7[%add3A_23, %dma_wait3A_210] : memref<10000x128xf32, #tpu.memory_space<vmem_shared>> -> memref<128x128xf32, #tpu.memory_space<vmem_shared>>
      %dma_wait3A_212 = arith.constant 0 : i32
      %dma_wait3A_213 = tpu.memref_slice %arg7[%add3A_23, %dma_wait3A_212] : memref<10000x128xf32, #tpu.memory_space<vmem_shared>> -> memref<128x128xf32, #tpu.memory_space<vmem_shared>>
      %dma_wait3A_214 = arith.constant 0 : i32
      %dma_wait3A_215 = arith.constant 0 : i32
      %dma_wait3A_216 = tpu.memref_slice %arg6[%run_scoped3A_24, %dma_wait3A_214, %dma_wait3A_215] : memref<2x128x128xf32, #tpu.memory_space<vmem>> -> memref<1x128x128xf32, #tpu.memory_space<vmem>>
      %dma_wait3A_217 = tpu.memref_squeeze %dma_wait3A_216 : memref<1x128x128xf32, #tpu.memory_space<vmem>> -> memref<128x128xf32, #tpu.memory_space<vmem>>
      tpu.wait_dma2 semaphore(%run_scoped3A_193 : memref<!tpu.dma_semaphore, #tpu.memory_space<semaphore_mem>>) src(%dma_wait3A_217 : memref<128x128xf32, #tpu.memory_space<vmem>>) dst(%dma_wait3A_213 : memref<128x128xf32, #tpu.memory_space<vmem_shared>>)
      tpu.yield
    }) : () -> ()
    %mul3A_25 = arith.constant 624 : i32
    %mul3A_26 = arith.muli %arg1, %mul3A_25 : i32
    %add3A_27 = arith.constant 512 : i32
    %add3A_28 = arith.addi %mul3A_26, %add3A_27 : i32
    %run_scoped3A_29 = arith.constant 0 : i32
    "tpu.region"() ({
      %run_scoped3A_193 = tpu.sem_alloc : memref<!tpu.dma_semaphore, #tpu.memory_space<semaphore_mem>>
      %dma_start3A_194 = arith.constant 0 : i32
      %dma_start3A_195 = arith.constant 0 : i32
      %dma_start3A_196 = tpu.memref_slice %arg6[%run_scoped3A_29, %dma_start3A_194, %dma_start3A_195] : memref<2x128x128xf32, #tpu.memory_space<vmem>> -> memref<1x112x128xf32, #tpu.memory_space<vmem>>
      %dma_start3A_197 = tpu.memref_squeeze %dma_start3A_196 : memref<1x112x128xf32, #tpu.memory_space<vmem>> -> memref<112x128xf32, #tpu.memory_space<vmem>>
      %dma_start3A_198 = arith.constant 0 : i32
      %dma_start3A_199 = tpu.memref_slice %arg7[%add3A_28, %dma_start3A_198] : memref<10000x128xf32, #tpu.memory_space<vmem_shared>> -> memref<112x128xf32, #tpu.memory_space<vmem_shared>>
      %dma_start3A_200 = arith.constant 0 : i32
      %dma_start3A_201 = tpu.memref_slice %arg7[%add3A_28, %dma_start3A_200] : memref<10000x128xf32, #tpu.memory_space<vmem_shared>> -> memref<112x128xf32, #tpu.memory_space<vmem_shared>>
      %dma_start3A_202 = arith.constant 0 : i32
      %dma_start3A_203 = arith.constant 0 : i32
      %dma_start3A_204 = tpu.memref_slice %arg6[%run_scoped3A_29, %dma_start3A_202, %dma_start3A_203] : memref<2x128x128xf32, #tpu.memory_space<vmem>> -> memref<1x112x128xf32, #tpu.memory_space<vmem>>
      %dma_start3A_205 = tpu.memref_squeeze %dma_start3A_204 : memref<1x112x128xf32, #tpu.memory_space<vmem>> -> memref<112x128xf32, #tpu.memory_space<vmem>>
      tpu.enqueue_dma source(%dma_start3A_205 : memref<112x128xf32, #tpu.memory_space<vmem>>) target(%dma_start3A_201 : memref<112x128xf32, #tpu.memory_space<vmem_shared>>) target_semaphore(%run_scoped3A_193 : memref<!tpu.dma_semaphore, #tpu.memory_space<semaphore_mem>>)
      %dma_wait3A_206 = arith.constant 0 : i32
      %dma_wait3A_207 = arith.constant 0 : i32
      %dma_wait3A_208 = tpu.memref_slice %arg6[%run_scoped3A_29, %dma_wait3A_206, %dma_wait3A_207] : memref<2x128x128xf32, #tpu.memory_space<vmem>> -> memref<1x112x128xf32, #tpu.memory_space<vmem>>
      %dma_wait3A_209 = tpu.memref_squeeze %dma_wait3A_208 : memref<1x112x128xf32, #tpu.memory_space<vmem>> -> memref<112x128xf32, #tpu.memory_space<vmem>>
      %dma_wait3A_210 = arith.constant 0 : i32
      %dma_wait3A_211 = tpu.memref_slice %arg7[%add3A_28, %dma_wait3A_210] : memref<10000x128xf32, #tpu.memory_space<vmem_shared>> -> memref<112x128xf32, #tpu.memory_space<vmem_shared>>
      %dma_wait3A_212 = arith.constant 0 : i32
      %dma_wait3A_213 = tpu.memref_slice %arg7[%add3A_28, %dma_wait3A_212] : memref<10000x128xf32, #tpu.memory_space<vmem_shared>> -> memref<112x128xf32, #tpu.memory_space<vmem_shared>>
      %dma_wait3A_214 = arith.constant 0 : i32
      %dma_wait3A_215 = arith.constant 0 : i32
      %dma_wait3A_216 = tpu.memref_slice %arg6[%run_scoped3A_29, %dma_wait3A_214, %dma_wait3A_215] : memref<2x128x128xf32, #tpu.memory_space<vmem>> -> memref<1x112x128xf32, #tpu.memory_space<vmem>>
      %dma_wait3A_217 = tpu.memref_squeeze %dma_wait3A_216 : memref<1x112x128xf32, #tpu.memory_space<vmem>> -> memref<112x128xf32, #tpu.memory_space<vmem>>
      tpu.wait_dma2 semaphore(%run_scoped3A_193 : memref<!tpu.dma_semaphore, #tpu.memory_space<semaphore_mem>>) src(%dma_wait3A_217 : memref<112x128xf32, #tpu.memory_space<vmem>>) dst(%dma_wait3A_213 : memref<112x128xf32, #tpu.memory_space<vmem_shared>>)
      tpu.yield
    }) : () -> ()
    %eq3A = arith.constant 0 : i32
    %eq3A_30 = arith.cmpi eq, %arg1, %eq3A : i32
    %convert_element_type3A = arith.extui %eq3A_30 : i1 to i32
    %cond3A = arith.constant 0 : i32
    %cond3A_31 = arith.cmpi ne, %convert_element_type3A, %cond3A : i32
    scf.if %cond3A_31 {
      %run_scoped3A_193 = arith.constant 0 : i32
      "tpu.region"() ({
        %run_scoped3A_194 = tpu.sem_alloc : memref<!tpu.dma_semaphore, #tpu.memory_space<semaphore_mem>>
        %dma_start3A_195 = arith.constant 0 : i32
        %dma_start3A_196 = arith.constant 0 : i32
        %dma_start3A_197 = tpu.memref_slice %arg6[%run_scoped3A_193, %dma_start3A_195, %dma_start3A_196] : memref<2x128x128xf32, #tpu.memory_space<vmem>> -> memref<1x16x128xf32, #tpu.memory_space<vmem>>
        %dma_start3A_198 = tpu.memref_squeeze %dma_start3A_197 : memref<1x16x128xf32, #tpu.memory_space<vmem>> -> memref<16x128xf32, #tpu.memory_space<vmem>>
        %dma_start3A_199 = arith.constant 9984 : i32
        %dma_start3A_200 = arith.constant 0 : i32
        %dma_start3A_201 = tpu.memref_slice %arg7[%dma_start3A_199, %dma_start3A_200] : memref<10000x128xf32, #tpu.memory_space<vmem_shared>> -> memref<16x128xf32, #tpu.memory_space<vmem_shared>>
        %dma_start3A_202 = arith.constant 9984 : i32
        %dma_start3A_203 = arith.constant 0 : i32
        %dma_start3A_204 = tpu.memref_slice %arg7[%dma_start3A_202, %dma_start3A_203] : memref<10000x128xf32, #tpu.memory_space<vmem_shared>> -> memref<16x128xf32, #tpu.memory_space<vmem_shared>>
        %dma_start3A_205 = arith.constant 0 : i32
        %dma_start3A_206 = arith.constant 0 : i32
        %dma_start3A_207 = tpu.memref_slice %arg6[%run_scoped3A_193, %dma_start3A_205, %dma_start3A_206] : memref<2x128x128xf32, #tpu.memory_space<vmem>> -> memref<1x16x128xf32, #tpu.memory_space<vmem>>
        %dma_start3A_208 = tpu.memref_squeeze %dma_start3A_207 : memref<1x16x128xf32, #tpu.memory_space<vmem>> -> memref<16x128xf32, #tpu.memory_space<vmem>>
        tpu.enqueue_dma source(%dma_start3A_208 : memref<16x128xf32, #tpu.memory_space<vmem>>) target(%dma_start3A_204 : memref<16x128xf32, #tpu.memory_space<vmem_shared>>) target_semaphore(%run_scoped3A_194 : memref<!tpu.dma_semaphore, #tpu.memory_space<semaphore_mem>>)
        %dma_wait3A_209 = arith.constant 0 : i32
        %dma_wait3A_210 = arith.constant 0 : i32
        %dma_wait3A_211 = tpu.memref_slice %arg6[%run_scoped3A_193, %dma_wait3A_209, %dma_wait3A_210] : memref<2x128x128xf32, #tpu.memory_space<vmem>> -> memref<1x16x128xf32, #tpu.memory_space<vmem>>
        %dma_wait3A_212 = tpu.memref_squeeze %dma_wait3A_211 : memref<1x16x128xf32, #tpu.memory_space<vmem>> -> memref<16x128xf32, #tpu.memory_space<vmem>>
        %dma_wait3A_213 = arith.constant 9984 : i32
        %dma_wait3A_214 = arith.constant 0 : i32
        %dma_wait3A_215 = tpu.memref_slice %arg7[%dma_wait3A_213, %dma_wait3A_214] : memref<10000x128xf32, #tpu.memory_space<vmem_shared>> -> memref<16x128xf32, #tpu.memory_space<vmem_shared>>
        %dma_wait3A_216 = arith.constant 9984 : i32
        %dma_wait3A_217 = arith.constant 0 : i32
        %dma_wait3A_218 = tpu.memref_slice %arg7[%dma_wait3A_216, %dma_wait3A_217] : memref<10000x128xf32, #tpu.memory_space<vmem_shared>> -> memref<16x128xf32, #tpu.memory_space<vmem_shared>>
        %dma_wait3A_219 = arith.constant 0 : i32
        %dma_wait3A_220 = arith.constant 0 : i32
        %dma_wait3A_221 = tpu.memref_slice %arg6[%run_scoped3A_193, %dma_wait3A_219, %dma_wait3A_220] : memref<2x128x128xf32, #tpu.memory_space<vmem>> -> memref<1x16x128xf32, #tpu.memory_space<vmem>>
        %dma_wait3A_222 = tpu.memref_squeeze %dma_wait3A_221 : memref<1x16x128xf32, #tpu.memory_space<vmem>> -> memref<16x128xf32, #tpu.memory_space<vmem>>
        tpu.wait_dma2 semaphore(%run_scoped3A_194 : memref<!tpu.dma_semaphore, #tpu.memory_space<semaphore_mem>>) src(%dma_wait3A_222 : memref<16x128xf32, #tpu.memory_space<vmem>>) dst(%dma_wait3A_218 : memref<16x128xf32, #tpu.memory_space<vmem_shared>>)
        tpu.yield
      }) : () -> ()
    } else {
    }
    %barrier3A = arith.constant 0 : index
    tpu.barrier barrier_id(%barrier3A)
    %mul3A_32 = arith.constant 78 : i32
    %mul3A_33 = arith.muli %add3A, %mul3A_32 : i32
    %min3A = arith.constant 4 : i32
    %min3A_34 = arith.minsi %add3A, %min3A : i32
    %add3A_35 = arith.addi %mul3A_33, %min3A_34 : i32
    %add3A_36 = arith.constant 0 : i32
    %add3A_37 = arith.addi %add3A_35, %add3A_36 : i32
    %mul3A_38 = arith.constant 128 : i32
    %mul3A_39 = arith.muli %add3A_37, %mul3A_38 : i32
    %dma_start3A = arith.constant 0 : i32
    %dma_start3A_40 = arith.constant 0 : i32
    %dma_start3A_41 = arith.constant 0 : i32
    %dma_start3A_42 = tpu.memref_slice %arg6[%dma_start3A, %dma_start3A_40, %dma_start3A_41] : memref<2x128x128xf32, #tpu.memory_space<vmem>> -> memref<1x128x128xf32, #tpu.memory_space<vmem>>
    %dma_start3A_43 = tpu.memref_squeeze %dma_start3A_42 : memref<1x128x128xf32, #tpu.memory_space<vmem>> -> memref<128x128xf32, #tpu.memory_space<vmem>>
    %dma_start3A_44 = arith.constant 0 : i32
    %dma_start3A_45 = tpu.memref_slice %arg2[%mul3A_39, %dma_start3A_44] : memref<320000x128xf32, #tpu.memory_space<hbm>> -> memref<128x128xf32, #tpu.memory_space<hbm>>
    %dma_start3A_46 = arith.constant 0 : i32
    %dma_start3A_47 = arith.constant 0 : i32
    %dma_start3A_48 = tpu.memref_slice %arg6[%dma_start3A, %dma_start3A_46, %dma_start3A_47] : memref<2x128x128xf32, #tpu.memory_space<vmem>> -> memref<1x128x128xf32, #tpu.memory_space<vmem>>
    %dma_start3A_49 = tpu.memref_squeeze %dma_start3A_48 : memref<1x128x128xf32, #tpu.memory_space<vmem>> -> memref<128x128xf32, #tpu.memory_space<vmem>>
    %dma_start3A_50 = arith.constant 0 : i32
    %dma_start3A_51 = tpu.memref_slice %arg2[%mul3A_39, %dma_start3A_50] : memref<320000x128xf32, #tpu.memory_space<hbm>> -> memref<128x128xf32, #tpu.memory_space<hbm>>
    tpu.enqueue_dma source(%dma_start3A_51 : memref<128x128xf32, #tpu.memory_space<hbm>>) target(%dma_start3A_49 : memref<128x128xf32, #tpu.memory_space<vmem>>) target_semaphore(%arg8 : memref<!tpu.dma_semaphore, #tpu.memory_space<semaphore_mem>>)
    %add3A_52 = arith.constant 0 : i32
    %add3A_53 = arith.addi %add3A_35, %add3A_52 : i32
    %mul3A_54 = arith.constant 128 : i32
    %mul3A_55 = arith.muli %add3A_53, %mul3A_54 : i32
    %dma_start3A_56 = arith.constant 0 : i32
    %dma_start3A_57 = arith.constant 0 : i32
    %dma_start3A_58 = arith.constant 0 : i32
    %dma_start3A_59 = tpu.memref_slice %arg5[%dma_start3A_56, %dma_start3A_57, %dma_start3A_58] : memref<2x2x128xi32, #tpu.memory_space<vmem>> -> memref<1x2x128xi32, #tpu.memory_space<vmem>>
    %dma_start3A_60 = tpu.memref_squeeze %dma_start3A_59 : memref<1x2x128xi32, #tpu.memory_space<vmem>> -> memref<2x128xi32, #tpu.memory_space<vmem>>
    %dma_start3A_61 = arith.constant 0 : i32
    %dma_start3A_62 = tpu.memref_slice %arg3[%dma_start3A_61, %mul3A_55] : memref<2x320000xi32, #tpu.memory_space<hbm>> -> memref<2x128xi32, #tpu.memory_space<hbm>>
    %dma_start3A_63 = arith.constant 0 : i32
    %dma_start3A_64 = arith.constant 0 : i32
    %dma_start3A_65 = tpu.memref_slice %arg5[%dma_start3A_56, %dma_start3A_63, %dma_start3A_64] : memref<2x2x128xi32, #tpu.memory_space<vmem>> -> memref<1x2x128xi32, #tpu.memory_space<vmem>>
    %dma_start3A_66 = tpu.memref_squeeze %dma_start3A_65 : memref<1x2x128xi32, #tpu.memory_space<vmem>> -> memref<2x128xi32, #tpu.memory_space<vmem>>
    %dma_start3A_67 = arith.constant 0 : i32
    %dma_start3A_68 = tpu.memref_slice %arg3[%dma_start3A_67, %mul3A_55] : memref<2x320000xi32, #tpu.memory_space<hbm>> -> memref<2x128xi32, #tpu.memory_space<hbm>>
    tpu.enqueue_dma source(%dma_start3A_68 : memref<2x128xi32, #tpu.memory_space<hbm>>) target(%dma_start3A_66 : memref<2x128xi32, #tpu.memory_space<vmem>>) target_semaphore(%arg8 : memref<!tpu.dma_semaphore, #tpu.memory_space<semaphore_mem>>)
    %add3A_69 = arith.constant 1 : i32
    %add3A_70 = arith.addi %add3A_35, %add3A_69 : i32
    %mul3A_71 = arith.constant 128 : i32
    %mul3A_72 = arith.muli %add3A_70, %mul3A_71 : i32
    %dma_start3A_73 = arith.constant 1 : i32
    %dma_start3A_74 = arith.constant 0 : i32
    %dma_start3A_75 = arith.constant 0 : i32
    %dma_start3A_76 = tpu.memref_slice %arg6[%dma_start3A_73, %dma_start3A_74, %dma_start3A_75] : memref<2x128x128xf32, #tpu.memory_space<vmem>> -> memref<1x128x128xf32, #tpu.memory_space<vmem>>
    %dma_start3A_77 = tpu.memref_squeeze %dma_start3A_76 : memref<1x128x128xf32, #tpu.memory_space<vmem>> -> memref<128x128xf32, #tpu.memory_space<vmem>>
    %dma_start3A_78 = arith.constant 0 : i32
    %dma_start3A_79 = tpu.memref_slice %arg2[%mul3A_72, %dma_start3A_78] : memref<320000x128xf32, #tpu.memory_space<hbm>> -> memref<128x128xf32, #tpu.memory_space<hbm>>
    %dma_start3A_80 = arith.constant 0 : i32
    %dma_start3A_81 = arith.constant 0 : i32
    %dma_start3A_82 = tpu.memref_slice %arg6[%dma_start3A_73, %dma_start3A_80, %dma_start3A_81] : memref<2x128x128xf32, #tpu.memory_space<vmem>> -> memref<1x128x128xf32, #tpu.memory_space<vmem>>
    %dma_start3A_83 = tpu.memref_squeeze %dma_start3A_82 : memref<1x128x128xf32, #tpu.memory_space<vmem>> -> memref<128x128xf32, #tpu.memory_space<vmem>>
    %dma_start3A_84 = arith.constant 0 : i32
    %dma_start3A_85 = tpu.memref_slice %arg2[%mul3A_72, %dma_start3A_84] : memref<320000x128xf32, #tpu.memory_space<hbm>> -> memref<128x128xf32, #tpu.memory_space<hbm>>
    tpu.enqueue_dma source(%dma_start3A_85 : memref<128x128xf32, #tpu.memory_space<hbm>>) target(%dma_start3A_83 : memref<128x128xf32, #tpu.memory_space<vmem>>) target_semaphore(%arg9 : memref<!tpu.dma_semaphore, #tpu.memory_space<semaphore_mem>>)
    %add3A_86 = arith.constant 1 : i32
    %add3A_87 = arith.addi %add3A_35, %add3A_86 : i32
    %mul3A_88 = arith.constant 128 : i32
    %mul3A_89 = arith.muli %add3A_87, %mul3A_88 : i32
    %dma_start3A_90 = arith.constant 1 : i32
    %dma_start3A_91 = arith.constant 0 : i32
    %dma_start3A_92 = arith.constant 0 : i32
    %dma_start3A_93 = tpu.memref_slice %arg5[%dma_start3A_90, %dma_start3A_91, %dma_start3A_92] : memref<2x2x128xi32, #tpu.memory_space<vmem>> -> memref<1x2x128xi32, #tpu.memory_space<vmem>>
    %dma_start3A_94 = tpu.memref_squeeze %dma_start3A_93 : memref<1x2x128xi32, #tpu.memory_space<vmem>> -> memref<2x128xi32, #tpu.memory_space<vmem>>
    %dma_start3A_95 = arith.constant 0 : i32
    %dma_start3A_96 = tpu.memref_slice %arg3[%dma_start3A_95, %mul3A_89] : memref<2x320000xi32, #tpu.memory_space<hbm>> -> memref<2x128xi32, #tpu.memory_space<hbm>>
    %dma_start3A_97 = arith.constant 0 : i32
    %dma_start3A_98 = arith.constant 0 : i32
    %dma_start3A_99 = tpu.memref_slice %arg5[%dma_start3A_90, %dma_start3A_97, %dma_start3A_98] : memref<2x2x128xi32, #tpu.memory_space<vmem>> -> memref<1x2x128xi32, #tpu.memory_space<vmem>>
    %dma_start3A_100 = tpu.memref_squeeze %dma_start3A_99 : memref<1x2x128xi32, #tpu.memory_space<vmem>> -> memref<2x128xi32, #tpu.memory_space<vmem>>
    %dma_start3A_101 = arith.constant 0 : i32
    %dma_start3A_102 = tpu.memref_slice %arg3[%dma_start3A_101, %mul3A_89] : memref<2x320000xi32, #tpu.memory_space<hbm>> -> memref<2x128xi32, #tpu.memory_space<hbm>>
    tpu.enqueue_dma source(%dma_start3A_102 : memref<2x128xi32, #tpu.memory_space<hbm>>) target(%dma_start3A_100 : memref<2x128xi32, #tpu.memory_space<vmem>>) target_semaphore(%arg9 : memref<!tpu.dma_semaphore, #tpu.memory_space<semaphore_mem>>)
    %scan3A_103 = arith.constant 0 : i32
    %scan3A_104 = arith.constant 0 : i32
    %scan3A_105 = arith.constant 39 : i32
    %scan3A_106 = arith.addi %scan3A_104, %scan3A_105 : i32
    %scan3A_107 = arith.constant 1 : i32
    scf.for %scan3A_193 = %scan3A_104 to %scan3A_106 step %scan3A_107  : i32 {
      %mul3A_194 = arith.constant 2 : i32
      %mul3A_195 = arith.muli %scan3A_193, %mul3A_194 : i32
      %add3A_196 = arith.constant 0 : i32
      %add3A_197 = arith.addi %mul3A_195, %add3A_196 : i32
      %add3A_198 = arith.addi %add3A_35, %add3A_197 : i32
      %mul3A_199 = arith.constant 128 : i32
      %mul3A_200 = arith.muli %add3A_198, %mul3A_199 : i32
      %dma_wait3A_201 = arith.constant 0 : i32
      %dma_wait3A_202 = arith.constant 0 : i32
      %dma_wait3A_203 = arith.constant 0 : i32
      %dma_wait3A_204 = tpu.memref_slice %arg6[%dma_wait3A_201, %dma_wait3A_202, %dma_wait3A_203] : memref<2x128x128xf32, #tpu.memory_space<vmem>> -> memref<1x128x128xf32, #tpu.memory_space<vmem>>
      %dma_wait3A_205 = tpu.memref_squeeze %dma_wait3A_204 : memref<1x128x128xf32, #tpu.memory_space<vmem>> -> memref<128x128xf32, #tpu.memory_space<vmem>>
      %dma_wait3A_206 = arith.constant 0 : i32
      %dma_wait3A_207 = tpu.memref_slice %arg2[%mul3A_200, %dma_wait3A_206] : memref<320000x128xf32, #tpu.memory_space<hbm>> -> memref<128x128xf32, #tpu.memory_space<hbm>>
      %dma_wait3A_208 = arith.constant 0 : i32
      %dma_wait3A_209 = arith.constant 0 : i32
      %dma_wait3A_210 = tpu.memref_slice %arg6[%dma_wait3A_201, %dma_wait3A_208, %dma_wait3A_209] : memref<2x128x128xf32, #tpu.memory_space<vmem>> -> memref<1x128x128xf32, #tpu.memory_space<vmem>>
      %dma_wait3A_211 = tpu.memref_squeeze %dma_wait3A_210 : memref<1x128x128xf32, #tpu.memory_space<vmem>> -> memref<128x128xf32, #tpu.memory_space<vmem>>
      %dma_wait3A_212 = arith.constant 0 : i32
      %dma_wait3A_213 = tpu.memref_slice %arg2[%mul3A_200, %dma_wait3A_212] : memref<320000x128xf32, #tpu.memory_space<hbm>> -> memref<128x128xf32, #tpu.memory_space<hbm>>
      tpu.wait_dma2 semaphore(%arg8 : memref<!tpu.dma_semaphore, #tpu.memory_space<semaphore_mem>>) src(%dma_wait3A_213 : memref<128x128xf32, #tpu.memory_space<hbm>>) dst(%dma_wait3A_211 : memref<128x128xf32, #tpu.memory_space<vmem>>)
      %add3A_214 = arith.addi %add3A_35, %add3A_197 : i32
      %mul3A_215 = arith.constant 128 : i32
      %mul3A_216 = arith.muli %add3A_214, %mul3A_215 : i32
      %dma_wait3A_217 = arith.constant 0 : i32
      %dma_wait3A_218 = arith.constant 0 : i32
      %dma_wait3A_219 = arith.constant 0 : i32
      %dma_wait3A_220 = tpu.memref_slice %arg5[%dma_wait3A_217, %dma_wait3A_218, %dma_wait3A_219] : memref<2x2x128xi32, #tpu.memory_space<vmem>> -> memref<1x2x128xi32, #tpu.memory_space<vmem>>
      %dma_wait3A_221 = tpu.memref_squeeze %dma_wait3A_220 : memref<1x2x128xi32, #tpu.memory_space<vmem>> -> memref<2x128xi32, #tpu.memory_space<vmem>>
      %dma_wait3A_222 = arith.constant 0 : i32
      %dma_wait3A_223 = tpu.memref_slice %arg3[%dma_wait3A_222, %mul3A_216] : memref<2x320000xi32, #tpu.memory_space<hbm>> -> memref<2x128xi32, #tpu.memory_space<hbm>>
      %dma_wait3A_224 = arith.constant 0 : i32
      %dma_wait3A_225 = arith.constant 0 : i32
      %dma_wait3A_226 = tpu.memref_slice %arg5[%dma_wait3A_217, %dma_wait3A_224, %dma_wait3A_225] : memref<2x2x128xi32, #tpu.memory_space<vmem>> -> memref<1x2x128xi32, #tpu.memory_space<vmem>>
      %dma_wait3A_227 = tpu.memref_squeeze %dma_wait3A_226 : memref<1x2x128xi32, #tpu.memory_space<vmem>> -> memref<2x128xi32, #tpu.memory_space<vmem>>
      %dma_wait3A_228 = arith.constant 0 : i32
      %dma_wait3A_229 = tpu.memref_slice %arg3[%dma_wait3A_228, %mul3A_216] : memref<2x320000xi32, #tpu.memory_space<hbm>> -> memref<2x128xi32, #tpu.memory_space<hbm>>
      tpu.wait_dma2 semaphore(%arg8 : memref<!tpu.dma_semaphore, #tpu.memory_space<semaphore_mem>>) src(%dma_wait3A_229 : memref<2x128xi32, #tpu.memory_space<hbm>>) dst(%dma_wait3A_227 : memref<2x128xi32, #tpu.memory_space<vmem>>)
      %run_scoped3A_230 = arith.constant 0 : i32
      %run_scoped3A_231 = arith.constant 0 : i32
      %run_scoped3A_232 = arith.constant 1 : i32
      "tpu.region"() ({
        %run_scoped3A_344 = tpu.sem_alloc : memref<!tpu.dma_semaphore, #tpu.memory_space<semaphore_mem>>
        %dma_start3A_345 = arith.constant 0 : i32
        %dma_start3A_346 = arith.constant 0 : i32
        %dma_start3A_347 = tpu.memref_slice %arg6[%run_scoped3A_230, %dma_start3A_345, %dma_start3A_346] : memref<2x128x128xf32, #tpu.memory_space<vmem>> -> memref<1x128x128xf32, #tpu.memory_space<vmem>>
        %dma_start3A_348 = tpu.memref_squeeze %dma_start3A_347 : memref<1x128x128xf32, #tpu.memory_space<vmem>> -> memref<128x128xf32, #tpu.memory_space<vmem>>
        %dma_start3A_349 = arith.constant 0 : i32
        %dma_start3A_350 = tpu.memref_slice %arg5[%run_scoped3A_231, %run_scoped3A_232, %dma_start3A_349] : memref<2x2x128xi32, #tpu.memory_space<vmem>> -> memref<1x1x128xi32, #tpu.memory_space<vmem>>
        %dma_start3A_351 = tpu.memref_squeeze %dma_start3A_350 : memref<1x1x128xi32, #tpu.memory_space<vmem>> -> memref<128xi32, #tpu.memory_space<vmem>>
        %dma_start3A_352 = arith.constant 0 : i32
        %dma_start3A_353 = arith.constant 0 : i32
        %dma_start3A_354 = tpu.memref_slice %arg7[%dma_start3A_352, %dma_start3A_353] : memref<10000x128xf32, #tpu.memory_space<vmem_shared>> -> memref<10000x128xf32, #tpu.memory_space<vmem_shared>>
        tpu.enqueue_indirect_dma source(%dma_start3A_348 : memref<128x128xf32, #tpu.memory_space<vmem>>) target(%dma_start3A_354 : memref<10000x128xf32, #tpu.memory_space<vmem_shared>>) offsets(%dma_start3A_351 : memref<128xi32, #tpu.memory_space<vmem>>) semaphore(%run_scoped3A_344 : memref<!tpu.dma_semaphore, #tpu.memory_space<semaphore_mem>>) {add = true}
        %dma_wait3A_355 = arith.constant 0 : i32
        %dma_wait3A_356 = arith.constant 0 : i32
        %dma_wait3A_357 = tpu.memref_slice %arg6[%run_scoped3A_230, %dma_wait3A_355, %dma_wait3A_356] : memref<2x128x128xf32, #tpu.memory_space<vmem>> -> memref<1x128x128xf32, #tpu.memory_space<vmem>>
        %dma_wait3A_358 = tpu.memref_squeeze %dma_wait3A_357 : memref<1x128x128xf32, #tpu.memory_space<vmem>> -> memref<128x128xf32, #tpu.memory_space<vmem>>
        %dma_wait3A_359 = arith.constant 0 : i32
        %dma_wait3A_360 = tpu.memref_slice %arg5[%run_scoped3A_231, %run_scoped3A_232, %dma_wait3A_359] : memref<2x2x128xi32, #tpu.memory_space<vmem>> -> memref<1x1x128xi32, #tpu.memory_space<vmem>>
        %dma_wait3A_361 = tpu.memref_squeeze %dma_wait3A_360 : memref<1x1x128xi32, #tpu.memory_space<vmem>> -> memref<128xi32, #tpu.memory_space<vmem>>
        %dma_wait3A_362 = arith.constant 0 : i32
        %dma_wait3A_363 = arith.constant 0 : i32
        %dma_wait3A_364 = tpu.memref_slice %arg7[%dma_wait3A_362, %dma_wait3A_363] : memref<10000x128xf32, #tpu.memory_space<vmem_shared>> -> memref<10000x128xf32, #tpu.memory_space<vmem_shared>>
        tpu.wait_indirect_dma semaphore(%run_scoped3A_344 : memref<!tpu.dma_semaphore, #tpu.memory_space<semaphore_mem>>) src(%dma_wait3A_358 : memref<128x128xf32, #tpu.memory_space<vmem>>) dst(%dma_wait3A_364 : memref<10000x128xf32, #tpu.memory_space<vmem_shared>>)
        tpu.yield
      }) : () -> ()
      %add3A_233 = arith.constant 2 : i32
      %add3A_234 = arith.addi %add3A_197, %add3A_233 : i32
      %min3A_235 = arith.constant 77 : i32
      %min3A_236 = arith.minsi %add3A_234, %min3A_235 : i32
      %add3A_237 = arith.addi %add3A_35, %min3A_236 : i32
      %mul3A_238 = arith.constant 128 : i32
      %mul3A_239 = arith.muli %add3A_237, %mul3A_238 : i32
      %dma_start3A_240 = arith.constant 0 : i32
      %dma_start3A_241 = arith.constant 0 : i32
      %dma_start3A_242 = arith.constant 0 : i32
      %dma_start3A_243 = tpu.memref_slice %arg6[%dma_start3A_240, %dma_start3A_241, %dma_start3A_242] : memref<2x128x128xf32, #tpu.memory_space<vmem>> -> memref<1x128x128xf32, #tpu.memory_space<vmem>>
      %dma_start3A_244 = tpu.memref_squeeze %dma_start3A_243 : memref<1x128x128xf32, #tpu.memory_space<vmem>> -> memref<128x128xf32, #tpu.memory_space<vmem>>
      %dma_start3A_245 = arith.constant 0 : i32
      %dma_start3A_246 = tpu.memref_slice %arg2[%mul3A_239, %dma_start3A_245] : memref<320000x128xf32, #tpu.memory_space<hbm>> -> memref<128x128xf32, #tpu.memory_space<hbm>>
      %dma_start3A_247 = arith.constant 0 : i32
      %dma_start3A_248 = arith.constant 0 : i32
      %dma_start3A_249 = tpu.memref_slice %arg6[%dma_start3A_240, %dma_start3A_247, %dma_start3A_248] : memref<2x128x128xf32, #tpu.memory_space<vmem>> -> memref<1x128x128xf32, #tpu.memory_space<vmem>>
      %dma_start3A_250 = tpu.memref_squeeze %dma_start3A_249 : memref<1x128x128xf32, #tpu.memory_space<vmem>> -> memref<128x128xf32, #tpu.memory_space<vmem>>
      %dma_start3A_251 = arith.constant 0 : i32
      %dma_start3A_252 = tpu.memref_slice %arg2[%mul3A_239, %dma_start3A_251] : memref<320000x128xf32, #tpu.memory_space<hbm>> -> memref<128x128xf32, #tpu.memory_space<hbm>>
      tpu.enqueue_dma source(%dma_start3A_252 : memref<128x128xf32, #tpu.memory_space<hbm>>) target(%dma_start3A_250 : memref<128x128xf32, #tpu.memory_space<vmem>>) target_semaphore(%arg8 : memref<!tpu.dma_semaphore, #tpu.memory_space<semaphore_mem>>)
      %add3A_253 = arith.addi %add3A_35, %min3A_236 : i32
      %mul3A_254 = arith.constant 128 : i32
      %mul3A_255 = arith.muli %add3A_253, %mul3A_254 : i32
      %dma_start3A_256 = arith.constant 0 : i32
      %dma_start3A_257 = arith.constant 0 : i32
      %dma_start3A_258 = arith.constant 0 : i32
      %dma_start3A_259 = tpu.memref_slice %arg5[%dma_start3A_256, %dma_start3A_257, %dma_start3A_258] : memref<2x2x128xi32, #tpu.memory_space<vmem>> -> memref<1x2x128xi32, #tpu.memory_space<vmem>>
      %dma_start3A_260 = tpu.memref_squeeze %dma_start3A_259 : memref<1x2x128xi32, #tpu.memory_space<vmem>> -> memref<2x128xi32, #tpu.memory_space<vmem>>
      %dma_start3A_261 = arith.constant 0 : i32
      %dma_start3A_262 = tpu.memref_slice %arg3[%dma_start3A_261, %mul3A_255] : memref<2x320000xi32, #tpu.memory_space<hbm>> -> memref<2x128xi32, #tpu.memory_space<hbm>>
      %dma_start3A_263 = arith.constant 0 : i32
      %dma_start3A_264 = arith.constant 0 : i32
      %dma_start3A_265 = tpu.memref_slice %arg5[%dma_start3A_256, %dma_start3A_263, %dma_start3A_264] : memref<2x2x128xi32, #tpu.memory_space<vmem>> -> memref<1x2x128xi32, #tpu.memory_space<vmem>>
      %dma_start3A_266 = tpu.memref_squeeze %dma_start3A_265 : memref<1x2x128xi32, #tpu.memory_space<vmem>> -> memref<2x128xi32, #tpu.memory_space<vmem>>
      %dma_start3A_267 = arith.constant 0 : i32
      %dma_start3A_268 = tpu.memref_slice %arg3[%dma_start3A_267, %mul3A_255] : memref<2x320000xi32, #tpu.memory_space<hbm>> -> memref<2x128xi32, #tpu.memory_space<hbm>>
      tpu.enqueue_dma source(%dma_start3A_268 : memref<2x128xi32, #tpu.memory_space<hbm>>) target(%dma_start3A_266 : memref<2x128xi32, #tpu.memory_space<vmem>>) target_semaphore(%arg8 : memref<!tpu.dma_semaphore, #tpu.memory_space<semaphore_mem>>)
      %mul3A_269 = arith.constant 2 : i32
      %mul3A_270 = arith.muli %scan3A_193, %mul3A_269 : i32
      %add3A_271 = arith.constant 1 : i32
      %add3A_272 = arith.addi %mul3A_270, %add3A_271 : i32
      %add3A_273 = arith.addi %add3A_35, %add3A_272 : i32
      %mul3A_274 = arith.constant 128 : i32
      %mul3A_275 = arith.muli %add3A_273, %mul3A_274 : i32
      %dma_wait3A_276 = arith.constant 1 : i32
      %dma_wait3A_277 = arith.constant 0 : i32
      %dma_wait3A_278 = arith.constant 0 : i32
      %dma_wait3A_279 = tpu.memref_slice %arg6[%dma_wait3A_276, %dma_wait3A_277, %dma_wait3A_278] : memref<2x128x128xf32, #tpu.memory_space<vmem>> -> memref<1x128x128xf32, #tpu.memory_space<vmem>>
      %dma_wait3A_280 = tpu.memref_squeeze %dma_wait3A_279 : memref<1x128x128xf32, #tpu.memory_space<vmem>> -> memref<128x128xf32, #tpu.memory_space<vmem>>
      %dma_wait3A_281 = arith.constant 0 : i32
      %dma_wait3A_282 = tpu.memref_slice %arg2[%mul3A_275, %dma_wait3A_281] : memref<320000x128xf32, #tpu.memory_space<hbm>> -> memref<128x128xf32, #tpu.memory_space<hbm>>
      %dma_wait3A_283 = arith.constant 0 : i32
      %dma_wait3A_284 = arith.constant 0 : i32
      %dma_wait3A_285 = tpu.memref_slice %arg6[%dma_wait3A_276, %dma_wait3A_283, %dma_wait3A_284] : memref<2x128x128xf32, #tpu.memory_space<vmem>> -> memref<1x128x128xf32, #tpu.memory_space<vmem>>
      %dma_wait3A_286 = tpu.memref_squeeze %dma_wait3A_285 : memref<1x128x128xf32, #tpu.memory_space<vmem>> -> memref<128x128xf32, #tpu.memory_space<vmem>>
      %dma_wait3A_287 = arith.constant 0 : i32
      %dma_wait3A_288 = tpu.memref_slice %arg2[%mul3A_275, %dma_wait3A_287] : memref<320000x128xf32, #tpu.memory_space<hbm>> -> memref<128x128xf32, #tpu.memory_space<hbm>>
      tpu.wait_dma2 semaphore(%arg9 : memref<!tpu.dma_semaphore, #tpu.memory_space<semaphore_mem>>) src(%dma_wait3A_288 : memref<128x128xf32, #tpu.memory_space<hbm>>) dst(%dma_wait3A_286 : memref<128x128xf32, #tpu.memory_space<vmem>>)
      %add3A_289 = arith.addi %add3A_35, %add3A_272 : i32
      %mul3A_290 = arith.constant 128 : i32
      %mul3A_291 = arith.muli %add3A_289, %mul3A_290 : i32
      %dma_wait3A_292 = arith.constant 1 : i32
      %dma_wait3A_293 = arith.constant 0 : i32
      %dma_wait3A_294 = arith.constant 0 : i32
      %dma_wait3A_295 = tpu.memref_slice %arg5[%dma_wait3A_292, %dma_wait3A_293, %dma_wait3A_294] : memref<2x2x128xi32, #tpu.memory_space<vmem>> -> memref<1x2x128xi32, #tpu.memory_space<vmem>>
      %dma_wait3A_296 = tpu.memref_squeeze %dma_wait3A_295 : memref<1x2x128xi32, #tpu.memory_space<vmem>> -> memref<2x128xi32, #tpu.memory_space<vmem>>
      %dma_wait3A_297 = arith.constant 0 : i32
      %dma_wait3A_298 = tpu.memref_slice %arg3[%dma_wait3A_297, %mul3A_291] : memref<2x320000xi32, #tpu.memory_space<hbm>> -> memref<2x128xi32, #tpu.memory_space<hbm>>
      %dma_wait3A_299 = arith.constant 0 : i32
      %dma_wait3A_300 = arith.constant 0 : i32
      %dma_wait3A_301 = tpu.memref_slice %arg5[%dma_wait3A_292, %dma_wait3A_299, %dma_wait3A_300] : memref<2x2x128xi32, #tpu.memory_space<vmem>> -> memref<1x2x128xi32, #tpu.memory_space<vmem>>
      %dma_wait3A_302 = tpu.memref_squeeze %dma_wait3A_301 : memref<1x2x128xi32, #tpu.memory_space<vmem>> -> memref<2x128xi32, #tpu.memory_space<vmem>>
      %dma_wait3A_303 = arith.constant 0 : i32
      %dma_wait3A_304 = tpu.memref_slice %arg3[%dma_wait3A_303, %mul3A_291] : memref<2x320000xi32, #tpu.memory_space<hbm>> -> memref<2x128xi32, #tpu.memory_space<hbm>>
      tpu.wait_dma2 semaphore(%arg9 : memref<!tpu.dma_semaphore, #tpu.memory_space<semaphore_mem>>) src(%dma_wait3A_304 : memref<2x128xi32, #tpu.memory_space<hbm>>) dst(%dma_wait3A_302 : memref<2x128xi32, #tpu.memory_space<vmem>>)
      %run_scoped3A_305 = arith.constant 1 : i32
      %run_scoped3A_306 = arith.constant 1 : i32
      %run_scoped3A_307 = arith.constant 1 : i32
      "tpu.region"() ({
        %run_scoped3A_344 = tpu.sem_alloc : memref<!tpu.dma_semaphore, #tpu.memory_space<semaphore_mem>>
        %dma_start3A_345 = arith.constant 0 : i32
        %dma_start3A_346 = arith.constant 0 : i32
        %dma_start3A_347 = tpu.memref_slice %arg6[%run_scoped3A_305, %dma_start3A_345, %dma_start3A_346] : memref<2x128x128xf32, #tpu.memory_space<vmem>> -> memref<1x128x128xf32, #tpu.memory_space<vmem>>
        %dma_start3A_348 = tpu.memref_squeeze %dma_start3A_347 : memref<1x128x128xf32, #tpu.memory_space<vmem>> -> memref<128x128xf32, #tpu.memory_space<vmem>>
        %dma_start3A_349 = arith.constant 0 : i32
        %dma_start3A_350 = tpu.memref_slice %arg5[%run_scoped3A_306, %run_scoped3A_307, %dma_start3A_349] : memref<2x2x128xi32, #tpu.memory_space<vmem>> -> memref<1x1x128xi32, #tpu.memory_space<vmem>>
        %dma_start3A_351 = tpu.memref_squeeze %dma_start3A_350 : memref<1x1x128xi32, #tpu.memory_space<vmem>> -> memref<128xi32, #tpu.memory_space<vmem>>
        %dma_start3A_352 = arith.constant 0 : i32
        %dma_start3A_353 = arith.constant 0 : i32
        %dma_start3A_354 = tpu.memref_slice %arg7[%dma_start3A_352, %dma_start3A_353] : memref<10000x128xf32, #tpu.memory_space<vmem_shared>> -> memref<10000x128xf32, #tpu.memory_space<vmem_shared>>
        tpu.enqueue_indirect_dma source(%dma_start3A_348 : memref<128x128xf32, #tpu.memory_space<vmem>>) target(%dma_start3A_354 : memref<10000x128xf32, #tpu.memory_space<vmem_shared>>) offsets(%dma_start3A_351 : memref<128xi32, #tpu.memory_space<vmem>>) semaphore(%run_scoped3A_344 : memref<!tpu.dma_semaphore, #tpu.memory_space<semaphore_mem>>) {add = true}
        %dma_wait3A_355 = arith.constant 0 : i32
        %dma_wait3A_356 = arith.constant 0 : i32
        %dma_wait3A_357 = tpu.memref_slice %arg6[%run_scoped3A_305, %dma_wait3A_355, %dma_wait3A_356] : memref<2x128x128xf32, #tpu.memory_space<vmem>> -> memref<1x128x128xf32, #tpu.memory_space<vmem>>
        %dma_wait3A_358 = tpu.memref_squeeze %dma_wait3A_357 : memref<1x128x128xf32, #tpu.memory_space<vmem>> -> memref<128x128xf32, #tpu.memory_space<vmem>>
        %dma_wait3A_359 = arith.constant 0 : i32
        %dma_wait3A_360 = tpu.memref_slice %arg5[%run_scoped3A_306, %run_scoped3A_307, %dma_wait3A_359] : memref<2x2x128xi32, #tpu.memory_space<vmem>> -> memref<1x1x128xi32, #tpu.memory_space<vmem>>
        %dma_wait3A_361 = tpu.memref_squeeze %dma_wait3A_360 : memref<1x1x128xi32, #tpu.memory_space<vmem>> -> memref<128xi32, #tpu.memory_space<vmem>>
        %dma_wait3A_362 = arith.constant 0 : i32
        %dma_wait3A_363 = arith.constant 0 : i32
        %dma_wait3A_364 = tpu.memref_slice %arg7[%dma_wait3A_362, %dma_wait3A_363] : memref<10000x128xf32, #tpu.memory_space<vmem_shared>> -> memref<10000x128xf32, #tpu.memory_space<vmem_shared>>
        tpu.wait_indirect_dma semaphore(%run_scoped3A_344 : memref<!tpu.dma_semaphore, #tpu.memory_space<semaphore_mem>>) src(%dma_wait3A_358 : memref<128x128xf32, #tpu.memory_space<vmem>>) dst(%dma_wait3A_364 : memref<10000x128xf32, #tpu.memory_space<vmem_shared>>)
        tpu.yield
      }) : () -> ()
      %add3A_308 = arith.constant 2 : i32
      %add3A_309 = arith.addi %add3A_272, %add3A_308 : i32
      %min3A_310 = arith.constant 77 : i32
      %min3A_311 = arith.minsi %add3A_309, %min3A_310 : i32
      %add3A_312 = arith.addi %add3A_35, %min3A_311 : i32
      %mul3A_313 = arith.constant 128 : i32
      %mul3A_314 = arith.muli %add3A_312, %mul3A_313 : i32
      %dma_start3A_315 = arith.constant 1 : i32
      %dma_start3A_316 = arith.constant 0 : i32
      %dma_start3A_317 = arith.constant 0 : i32
      %dma_start3A_318 = tpu.memref_slice %arg6[%dma_start3A_315, %dma_start3A_316, %dma_start3A_317] : memref<2x128x128xf32, #tpu.memory_space<vmem>> -> memref<1x128x128xf32, #tpu.memory_space<vmem>>
      %dma_start3A_319 = tpu.memref_squeeze %dma_start3A_318 : memref<1x128x128xf32, #tpu.memory_space<vmem>> -> memref<128x128xf32, #tpu.memory_space<vmem>>
      %dma_start3A_320 = arith.constant 0 : i32
      %dma_start3A_321 = tpu.memref_slice %arg2[%mul3A_314, %dma_start3A_320] : memref<320000x128xf32, #tpu.memory_space<hbm>> -> memref<128x128xf32, #tpu.memory_space<hbm>>
      %dma_start3A_322 = arith.constant 0 : i32
      %dma_start3A_323 = arith.constant 0 : i32
      %dma_start3A_324 = tpu.memref_slice %arg6[%dma_start3A_315, %dma_start3A_322, %dma_start3A_323] : memref<2x128x128xf32, #tpu.memory_space<vmem>> -> memref<1x128x128xf32, #tpu.memory_space<vmem>>
      %dma_start3A_325 = tpu.memref_squeeze %dma_start3A_324 : memref<1x128x128xf32, #tpu.memory_space<vmem>> -> memref<128x128xf32, #tpu.memory_space<vmem>>
      %dma_start3A_326 = arith.constant 0 : i32
      %dma_start3A_327 = tpu.memref_slice %arg2[%mul3A_314, %dma_start3A_326] : memref<320000x128xf32, #tpu.memory_space<hbm>> -> memref<128x128xf32, #tpu.memory_space<hbm>>
      tpu.enqueue_dma source(%dma_start3A_327 : memref<128x128xf32, #tpu.memory_space<hbm>>) target(%dma_start3A_325 : memref<128x128xf32, #tpu.memory_space<vmem>>) target_semaphore(%arg9 : memref<!tpu.dma_semaphore, #tpu.memory_space<semaphore_mem>>)
      %add3A_328 = arith.addi %add3A_35, %min3A_311 : i32
      %mul3A_329 = arith.constant 128 : i32
      %mul3A_330 = arith.muli %add3A_328, %mul3A_329 : i32
      %dma_start3A_331 = arith.constant 1 : i32
      %dma_start3A_332 = arith.constant 0 : i32
      %dma_start3A_333 = arith.constant 0 : i32
      %dma_start3A_334 = tpu.memref_slice %arg5[%dma_start3A_331, %dma_start3A_332, %dma_start3A_333] : memref<2x2x128xi32, #tpu.memory_space<vmem>> -> memref<1x2x128xi32, #tpu.memory_space<vmem>>
      %dma_start3A_335 = tpu.memref_squeeze %dma_start3A_334 : memref<1x2x128xi32, #tpu.memory_space<vmem>> -> memref<2x128xi32, #tpu.memory_space<vmem>>
      %dma_start3A_336 = arith.constant 0 : i32
      %dma_start3A_337 = tpu.memref_slice %arg3[%dma_start3A_336, %mul3A_330] : memref<2x320000xi32, #tpu.memory_space<hbm>> -> memref<2x128xi32, #tpu.memory_space<hbm>>
      %dma_start3A_338 = arith.constant 0 : i32
      %dma_start3A_339 = arith.constant 0 : i32
      %dma_start3A_340 = tpu.memref_slice %arg5[%dma_start3A_331, %dma_start3A_338, %dma_start3A_339] : memref<2x2x128xi32, #tpu.memory_space<vmem>> -> memref<1x2x128xi32, #tpu.memory_space<vmem>>
      %dma_start3A_341 = tpu.memref_squeeze %dma_start3A_340 : memref<1x2x128xi32, #tpu.memory_space<vmem>> -> memref<2x128xi32, #tpu.memory_space<vmem>>
      %dma_start3A_342 = arith.constant 0 : i32
      %dma_start3A_343 = tpu.memref_slice %arg3[%dma_start3A_342, %mul3A_330] : memref<2x320000xi32, #tpu.memory_space<hbm>> -> memref<2x128xi32, #tpu.memory_space<hbm>>
      tpu.enqueue_dma source(%dma_start3A_343 : memref<2x128xi32, #tpu.memory_space<hbm>>) target(%dma_start3A_341 : memref<2x128xi32, #tpu.memory_space<vmem>>) target_semaphore(%arg9 : memref<!tpu.dma_semaphore, #tpu.memory_space<semaphore_mem>>)
    }
    %scan3A_108 = arith.constant 39 : i32
    %add3A_109 = arith.constant 0 : i32
    %add3A_110 = arith.addi %add3A_35, %add3A_109 : i32
    %mul3A_111 = arith.constant 128 : i32
    %mul3A_112 = arith.muli %add3A_110, %mul3A_111 : i32
    %dma_wait3A = arith.constant 0 : i32
    %dma_wait3A_113 = arith.constant 0 : i32
    %dma_wait3A_114 = arith.constant 0 : i32
    %dma_wait3A_115 = tpu.memref_slice %arg6[%dma_wait3A, %dma_wait3A_113, %dma_wait3A_114] : memref<2x128x128xf32, #tpu.memory_space<vmem>> -> memref<1x128x128xf32, #tpu.memory_space<vmem>>
    %dma_wait3A_116 = tpu.memref_squeeze %dma_wait3A_115 : memref<1x128x128xf32, #tpu.memory_space<vmem>> -> memref<128x128xf32, #tpu.memory_space<vmem>>
    %dma_wait3A_117 = arith.constant 0 : i32
    %dma_wait3A_118 = tpu.memref_slice %arg2[%mul3A_112, %dma_wait3A_117] : memref<320000x128xf32, #tpu.memory_space<hbm>> -> memref<128x128xf32, #tpu.memory_space<hbm>>
    %dma_wait3A_119 = arith.constant 0 : i32
    %dma_wait3A_120 = arith.constant 0 : i32
    %dma_wait3A_121 = tpu.memref_slice %arg6[%dma_wait3A, %dma_wait3A_119, %dma_wait3A_120] : memref<2x128x128xf32, #tpu.memory_space<vmem>> -> memref<1x128x128xf32, #tpu.memory_space<vmem>>
    %dma_wait3A_122 = tpu.memref_squeeze %dma_wait3A_121 : memref<1x128x128xf32, #tpu.memory_space<vmem>> -> memref<128x128xf32, #tpu.memory_space<vmem>>
    %dma_wait3A_123 = arith.constant 0 : i32
    %dma_wait3A_124 = tpu.memref_slice %arg2[%mul3A_112, %dma_wait3A_123] : memref<320000x128xf32, #tpu.memory_space<hbm>> -> memref<128x128xf32, #tpu.memory_space<hbm>>
    tpu.wait_dma2 semaphore(%arg8 : memref<!tpu.dma_semaphore, #tpu.memory_space<semaphore_mem>>) src(%dma_wait3A_124 : memref<128x128xf32, #tpu.memory_space<hbm>>) dst(%dma_wait3A_122 : memref<128x128xf32, #tpu.memory_space<vmem>>)
    %add3A_125 = arith.constant 0 : i32
    %add3A_126 = arith.addi %add3A_35, %add3A_125 : i32
    %mul3A_127 = arith.constant 128 : i32
    %mul3A_128 = arith.muli %add3A_126, %mul3A_127 : i32
    %dma_wait3A_129 = arith.constant 0 : i32
    %dma_wait3A_130 = arith.constant 0 : i32
    %dma_wait3A_131 = arith.constant 0 : i32
    %dma_wait3A_132 = tpu.memref_slice %arg5[%dma_wait3A_129, %dma_wait3A_130, %dma_wait3A_131] : memref<2x2x128xi32, #tpu.memory_space<vmem>> -> memref<1x2x128xi32, #tpu.memory_space<vmem>>
    %dma_wait3A_133 = tpu.memref_squeeze %dma_wait3A_132 : memref<1x2x128xi32, #tpu.memory_space<vmem>> -> memref<2x128xi32, #tpu.memory_space<vmem>>
    %dma_wait3A_134 = arith.constant 0 : i32
    %dma_wait3A_135 = tpu.memref_slice %arg3[%dma_wait3A_134, %mul3A_128] : memref<2x320000xi32, #tpu.memory_space<hbm>> -> memref<2x128xi32, #tpu.memory_space<hbm>>
    %dma_wait3A_136 = arith.constant 0 : i32
    %dma_wait3A_137 = arith.constant 0 : i32
    %dma_wait3A_138 = tpu.memref_slice %arg5[%dma_wait3A_129, %dma_wait3A_136, %dma_wait3A_137] : memref<2x2x128xi32, #tpu.memory_space<vmem>> -> memref<1x2x128xi32, #tpu.memory_space<vmem>>
    %dma_wait3A_139 = tpu.memref_squeeze %dma_wait3A_138 : memref<1x2x128xi32, #tpu.memory_space<vmem>> -> memref<2x128xi32, #tpu.memory_space<vmem>>
    %dma_wait3A_140 = arith.constant 0 : i32
    %dma_wait3A_141 = tpu.memref_slice %arg3[%dma_wait3A_140, %mul3A_128] : memref<2x320000xi32, #tpu.memory_space<hbm>> -> memref<2x128xi32, #tpu.memory_space<hbm>>
    tpu.wait_dma2 semaphore(%arg8 : memref<!tpu.dma_semaphore, #tpu.memory_space<semaphore_mem>>) src(%dma_wait3A_141 : memref<2x128xi32, #tpu.memory_space<hbm>>) dst(%dma_wait3A_139 : memref<2x128xi32, #tpu.memory_space<vmem>>)
    %add3A_142 = arith.constant 0 : i32
    %add3A_143 = arith.addi %add3A_35, %add3A_142 : i32
    %mul3A_144 = arith.constant 128 : i32
    %mul3A_145 = arith.muli %add3A_143, %mul3A_144 : i32
    %dma_wait3A_146 = arith.constant 1 : i32
    %dma_wait3A_147 = arith.constant 0 : i32
    %dma_wait3A_148 = arith.constant 0 : i32
    %dma_wait3A_149 = tpu.memref_slice %arg6[%dma_wait3A_146, %dma_wait3A_147, %dma_wait3A_148] : memref<2x128x128xf32, #tpu.memory_space<vmem>> -> memref<1x128x128xf32, #tpu.memory_space<vmem>>
    %dma_wait3A_150 = tpu.memref_squeeze %dma_wait3A_149 : memref<1x128x128xf32, #tpu.memory_space<vmem>> -> memref<128x128xf32, #tpu.memory_space<vmem>>
    %dma_wait3A_151 = arith.constant 0 : i32
    %dma_wait3A_152 = tpu.memref_slice %arg2[%mul3A_145, %dma_wait3A_151] : memref<320000x128xf32, #tpu.memory_space<hbm>> -> memref<128x128xf32, #tpu.memory_space<hbm>>
    %dma_wait3A_153 = arith.constant 0 : i32
    %dma_wait3A_154 = arith.constant 0 : i32
    %dma_wait3A_155 = tpu.memref_slice %arg6[%dma_wait3A_146, %dma_wait3A_153, %dma_wait3A_154] : memref<2x128x128xf32, #tpu.memory_space<vmem>> -> memref<1x128x128xf32, #tpu.memory_space<vmem>>
    %dma_wait3A_156 = tpu.memref_squeeze %dma_wait3A_155 : memref<1x128x128xf32, #tpu.memory_space<vmem>> -> memref<128x128xf32, #tpu.memory_space<vmem>>
    %dma_wait3A_157 = arith.constant 0 : i32
    %dma_wait3A_158 = tpu.memref_slice %arg2[%mul3A_145, %dma_wait3A_157] : memref<320000x128xf32, #tpu.memory_space<hbm>> -> memref<128x128xf32, #tpu.memory_space<hbm>>
    tpu.wait_dma2 semaphore(%arg9 : memref<!tpu.dma_semaphore, #tpu.memory_space<semaphore_mem>>) src(%dma_wait3A_158 : memref<128x128xf32, #tpu.memory_space<hbm>>) dst(%dma_wait3A_156 : memref<128x128xf32, #tpu.memory_space<vmem>>)
    %add3A_159 = arith.constant 0 : i32
    %add3A_160 = arith.addi %add3A_35, %add3A_159 : i32
    %mul3A_161 = arith.constant 128 : i32
    %mul3A_162 = arith.muli %add3A_160, %mul3A_161 : i32
    %dma_wait3A_163 = arith.constant 1 : i32
    %dma_wait3A_164 = arith.constant 0 : i32
    %dma_wait3A_165 = arith.constant 0 : i32
    %dma_wait3A_166 = tpu.memref_slice %arg5[%dma_wait3A_163, %dma_wait3A_164, %dma_wait3A_165] : memref<2x2x128xi32, #tpu.memory_space<vmem>> -> memref<1x2x128xi32, #tpu.memory_space<vmem>>
    %dma_wait3A_167 = tpu.memref_squeeze %dma_wait3A_166 : memref<1x2x128xi32, #tpu.memory_space<vmem>> -> memref<2x128xi32, #tpu.memory_space<vmem>>
    %dma_wait3A_168 = arith.constant 0 : i32
    %dma_wait3A_169 = tpu.memref_slice %arg3[%dma_wait3A_168, %mul3A_162] : memref<2x320000xi32, #tpu.memory_space<hbm>> -> memref<2x128xi32, #tpu.memory_space<hbm>>
    %dma_wait3A_170 = arith.constant 0 : i32
    %dma_wait3A_171 = arith.constant 0 : i32
    %dma_wait3A_172 = tpu.memref_slice %arg5[%dma_wait3A_163, %dma_wait3A_170, %dma_wait3A_171] : memref<2x2x128xi32, #tpu.memory_space<vmem>> -> memref<1x2x128xi32, #tpu.memory_space<vmem>>
    %dma_wait3A_173 = tpu.memref_squeeze %dma_wait3A_172 : memref<1x2x128xi32, #tpu.memory_space<vmem>> -> memref<2x128xi32, #tpu.memory_space<vmem>>
    %dma_wait3A_174 = arith.constant 0 : i32
    %dma_wait3A_175 = tpu.memref_slice %arg3[%dma_wait3A_174, %mul3A_162] : memref<2x320000xi32, #tpu.memory_space<hbm>> -> memref<2x128xi32, #tpu.memory_space<hbm>>
    tpu.wait_dma2 semaphore(%arg9 : memref<!tpu.dma_semaphore, #tpu.memory_space<semaphore_mem>>) src(%dma_wait3A_175 : memref<2x128xi32, #tpu.memory_space<hbm>>) dst(%dma_wait3A_173 : memref<2x128xi32, #tpu.memory_space<vmem>>)
    %lt3A = arith.constant 4 : i32
    %lt3A_176 = arith.cmpi slt, %add3A, %lt3A : i32
    %convert_element_type3A_177 = arith.extui %lt3A_176 : i1 to i32
    %cond3A_178 = arith.constant 0 : i32
    %cond3A_179 = arith.cmpi ne, %convert_element_type3A_177, %cond3A_178 : i32
    scf.if %cond3A_179 {
      %add3A_193 = arith.constant 78 : i32
      %add3A_194 = arith.addi %add3A_35, %add3A_193 : i32
      %mul3A_195 = arith.constant 128 : i32
      %mul3A_196 = arith.muli %add3A_194, %mul3A_195 : i32
      %run_scoped3A_197 = arith.constant 0 : i32
      "tpu.region"() ({
        %run_scoped3A_202 = tpu.sem_alloc : memref<!tpu.dma_semaphore, #tpu.memory_space<semaphore_mem>>
        %dma_start3A_203 = arith.constant 0 : i32
        %dma_start3A_204 = arith.constant 0 : i32
        %dma_start3A_205 = tpu.memref_slice %arg5[%run_scoped3A_197, %dma_start3A_203, %dma_start3A_204] : memref<2x2x128xi32, #tpu.memory_space<vmem>> -> memref<1x2x128xi32, #tpu.memory_space<vmem>>
        %dma_start3A_206 = tpu.memref_squeeze %dma_start3A_205 : memref<1x2x128xi32, #tpu.memory_space<vmem>> -> memref<2x128xi32, #tpu.memory_space<vmem>>
        %dma_start3A_207 = arith.constant 0 : i32
        %dma_start3A_208 = tpu.memref_slice %arg3[%dma_start3A_207, %mul3A_196] : memref<2x320000xi32, #tpu.memory_space<hbm>> -> memref<2x128xi32, #tpu.memory_space<hbm>>
        %dma_start3A_209 = arith.constant 0 : i32
        %dma_start3A_210 = arith.constant 0 : i32
        %dma_start3A_211 = tpu.memref_slice %arg5[%run_scoped3A_197, %dma_start3A_209, %dma_start3A_210] : memref<2x2x128xi32, #tpu.memory_space<vmem>> -> memref<1x2x128xi32, #tpu.memory_space<vmem>>
        %dma_start3A_212 = tpu.memref_squeeze %dma_start3A_211 : memref<1x2x128xi32, #tpu.memory_space<vmem>> -> memref<2x128xi32, #tpu.memory_space<vmem>>
        %dma_start3A_213 = arith.constant 0 : i32
        %dma_start3A_214 = tpu.memref_slice %arg3[%dma_start3A_213, %mul3A_196] : memref<2x320000xi32, #tpu.memory_space<hbm>> -> memref<2x128xi32, #tpu.memory_space<hbm>>
        tpu.enqueue_dma source(%dma_start3A_214 : memref<2x128xi32, #tpu.memory_space<hbm>>) target(%dma_start3A_212 : memref<2x128xi32, #tpu.memory_space<vmem>>) target_semaphore(%run_scoped3A_202 : memref<!tpu.dma_semaphore, #tpu.memory_space<semaphore_mem>>)
        %dma_wait3A_215 = arith.constant 0 : i32
        %dma_wait3A_216 = arith.constant 0 : i32
        %dma_wait3A_217 = tpu.memref_slice %arg5[%run_scoped3A_197, %dma_wait3A_215, %dma_wait3A_216] : memref<2x2x128xi32, #tpu.memory_space<vmem>> -> memref<1x2x128xi32, #tpu.memory_space<vmem>>
        %dma_wait3A_218 = tpu.memref_squeeze %dma_wait3A_217 : memref<1x2x128xi32, #tpu.memory_space<vmem>> -> memref<2x128xi32, #tpu.memory_space<vmem>>
        %dma_wait3A_219 = arith.constant 0 : i32
        %dma_wait3A_220 = tpu.memref_slice %arg3[%dma_wait3A_219, %mul3A_196] : memref<2x320000xi32, #tpu.memory_space<hbm>> -> memref<2x128xi32, #tpu.memory_space<hbm>>
        %dma_wait3A_221 = arith.constant 0 : i32
        %dma_wait3A_222 = arith.constant 0 : i32
        %dma_wait3A_223 = tpu.memref_slice %arg5[%run_scoped3A_197, %dma_wait3A_221, %dma_wait3A_222] : memref<2x2x128xi32, #tpu.memory_space<vmem>> -> memref<1x2x128xi32, #tpu.memory_space<vmem>>
        %dma_wait3A_224 = tpu.memref_squeeze %dma_wait3A_223 : memref<1x2x128xi32, #tpu.memory_space<vmem>> -> memref<2x128xi32, #tpu.memory_space<vmem>>
        %dma_wait3A_225 = arith.constant 0 : i32
        %dma_wait3A_226 = tpu.memref_slice %arg3[%dma_wait3A_225, %mul3A_196] : memref<2x320000xi32, #tpu.memory_space<hbm>> -> memref<2x128xi32, #tpu.memory_space<hbm>>
        tpu.wait_dma2 semaphore(%run_scoped3A_202 : memref<!tpu.dma_semaphore, #tpu.memory_space<semaphore_mem>>) src(%dma_wait3A_226 : memref<2x128xi32, #tpu.memory_space<hbm>>) dst(%dma_wait3A_224 : memref<2x128xi32, #tpu.memory_space<vmem>>)
        tpu.yield
      }) : () -> ()
      %run_scoped3A_198 = arith.constant 0 : i32
      "tpu.region"() ({
        %run_scoped3A_202 = tpu.sem_alloc : memref<!tpu.dma_semaphore, #tpu.memory_space<semaphore_mem>>
        %dma_start3A_203 = arith.constant 0 : i32
        %dma_start3A_204 = arith.constant 0 : i32
        %dma_start3A_205 = tpu.memref_slice %arg6[%run_scoped3A_198, %dma_start3A_203, %dma_start3A_204] : memref<2x128x128xf32, #tpu.memory_space<vmem>> -> memref<1x128x128xf32, #tpu.memory_space<vmem>>
        %dma_start3A_206 = tpu.memref_squeeze %dma_start3A_205 : memref<1x128x128xf32, #tpu.memory_space<vmem>> -> memref<128x128xf32, #tpu.memory_space<vmem>>
        %dma_start3A_207 = arith.constant 0 : i32
        %dma_start3A_208 = tpu.memref_slice %arg2[%mul3A_196, %dma_start3A_207] : memref<320000x128xf32, #tpu.memory_space<hbm>> -> memref<128x128xf32, #tpu.memory_space<hbm>>
        %dma_start3A_209 = arith.constant 0 : i32
        %dma_start3A_210 = arith.constant 0 : i32
        %dma_start3A_211 = tpu.memref_slice %arg6[%run_scoped3A_198, %dma_start3A_209, %dma_start3A_210] : memref<2x128x128xf32, #tpu.memory_space<vmem>> -> memref<1x128x128xf32, #tpu.memory_space<vmem>>
        %dma_start3A_212 = tpu.memref_squeeze %dma_start3A_211 : memref<1x128x128xf32, #tpu.memory_space<vmem>> -> memref<128x128xf32, #tpu.memory_space<vmem>>
        %dma_start3A_213 = arith.constant 0 : i32
        %dma_start3A_214 = tpu.memref_slice %arg2[%mul3A_196, %dma_start3A_213] : memref<320000x128xf32, #tpu.memory_space<hbm>> -> memref<128x128xf32, #tpu.memory_space<hbm>>
        tpu.enqueue_dma source(%dma_start3A_214 : memref<128x128xf32, #tpu.memory_space<hbm>>) target(%dma_start3A_212 : memref<128x128xf32, #tpu.memory_space<vmem>>) target_semaphore(%run_scoped3A_202 : memref<!tpu.dma_semaphore, #tpu.memory_space<semaphore_mem>>)
        %dma_wait3A_215 = arith.constant 0 : i32
        %dma_wait3A_216 = arith.constant 0 : i32
        %dma_wait3A_217 = tpu.memref_slice %arg6[%run_scoped3A_198, %dma_wait3A_215, %dma_wait3A_216] : memref<2x128x128xf32, #tpu.memory_space<vmem>> -> memref<1x128x128xf32, #tpu.memory_space<vmem>>
        %dma_wait3A_218 = tpu.memref_squeeze %dma_wait3A_217 : memref<1x128x128xf32, #tpu.memory_space<vmem>> -> memref<128x128xf32, #tpu.memory_space<vmem>>
        %dma_wait3A_219 = arith.constant 0 : i32
        %dma_wait3A_220 = tpu.memref_slice %arg2[%mul3A_196, %dma_wait3A_219] : memref<320000x128xf32, #tpu.memory_space<hbm>> -> memref<128x128xf32, #tpu.memory_space<hbm>>
        %dma_wait3A_221 = arith.constant 0 : i32
        %dma_wait3A_222 = arith.constant 0 : i32
        %dma_wait3A_223 = tpu.memref_slice %arg6[%run_scoped3A_198, %dma_wait3A_221, %dma_wait3A_222] : memref<2x128x128xf32, #tpu.memory_space<vmem>> -> memref<1x128x128xf32, #tpu.memory_space<vmem>>
        %dma_wait3A_224 = tpu.memref_squeeze %dma_wait3A_223 : memref<1x128x128xf32, #tpu.memory_space<vmem>> -> memref<128x128xf32, #tpu.memory_space<vmem>>
        %dma_wait3A_225 = arith.constant 0 : i32
        %dma_wait3A_226 = tpu.memref_slice %arg2[%mul3A_196, %dma_wait3A_225] : memref<320000x128xf32, #tpu.memory_space<hbm>> -> memref<128x128xf32, #tpu.memory_space<hbm>>
        tpu.wait_dma2 semaphore(%run_scoped3A_202 : memref<!tpu.dma_semaphore, #tpu.memory_space<semaphore_mem>>) src(%dma_wait3A_226 : memref<128x128xf32, #tpu.memory_space<hbm>>) dst(%dma_wait3A_224 : memref<128x128xf32, #tpu.memory_space<vmem>>)
        tpu.yield
      }) : () -> ()
      %run_scoped3A_199 = arith.constant 0 : i32
      %run_scoped3A_200 = arith.constant 0 : i32
      %run_scoped3A_201 = arith.constant 1 : i32
      "tpu.region"() ({
        %run_scoped3A_202 = tpu.sem_alloc : memref<!tpu.dma_semaphore, #tpu.memory_space<semaphore_mem>>
        %dma_start3A_203 = arith.constant 0 : i32
        %dma_start3A_204 = arith.constant 0 : i32
        %dma_start3A_205 = tpu.memref_slice %arg6[%run_scoped3A_199, %dma_start3A_203, %dma_start3A_204] : memref<2x128x128xf32, #tpu.memory_space<vmem>> -> memref<1x128x128xf32, #tpu.memory_space<vmem>>
        %dma_start3A_206 = tpu.memref_squeeze %dma_start3A_205 : memref<1x128x128xf32, #tpu.memory_space<vmem>> -> memref<128x128xf32, #tpu.memory_space<vmem>>
        %dma_start3A_207 = arith.constant 0 : i32
        %dma_start3A_208 = tpu.memref_slice %arg5[%run_scoped3A_200, %run_scoped3A_201, %dma_start3A_207] : memref<2x2x128xi32, #tpu.memory_space<vmem>> -> memref<1x1x128xi32, #tpu.memory_space<vmem>>
        %dma_start3A_209 = tpu.memref_squeeze %dma_start3A_208 : memref<1x1x128xi32, #tpu.memory_space<vmem>> -> memref<128xi32, #tpu.memory_space<vmem>>
        %dma_start3A_210 = arith.constant 0 : i32
        %dma_start3A_211 = arith.constant 0 : i32
        %dma_start3A_212 = tpu.memref_slice %arg7[%dma_start3A_210, %dma_start3A_211] : memref<10000x128xf32, #tpu.memory_space<vmem_shared>> -> memref<10000x128xf32, #tpu.memory_space<vmem_shared>>
        tpu.enqueue_indirect_dma source(%dma_start3A_206 : memref<128x128xf32, #tpu.memory_space<vmem>>) target(%dma_start3A_212 : memref<10000x128xf32, #tpu.memory_space<vmem_shared>>) offsets(%dma_start3A_209 : memref<128xi32, #tpu.memory_space<vmem>>) semaphore(%run_scoped3A_202 : memref<!tpu.dma_semaphore, #tpu.memory_space<semaphore_mem>>) {add = true}
        %dma_wait3A_213 = arith.constant 0 : i32
        %dma_wait3A_214 = arith.constant 0 : i32
        %dma_wait3A_215 = tpu.memref_slice %arg6[%run_scoped3A_199, %dma_wait3A_213, %dma_wait3A_214] : memref<2x128x128xf32, #tpu.memory_space<vmem>> -> memref<1x128x128xf32, #tpu.memory_space<vmem>>
        %dma_wait3A_216 = tpu.memref_squeeze %dma_wait3A_215 : memref<1x128x128xf32, #tpu.memory_space<vmem>> -> memref<128x128xf32, #tpu.memory_space<vmem>>
        %dma_wait3A_217 = arith.constant 0 : i32
        %dma_wait3A_218 = tpu.memref_slice %arg5[%run_scoped3A_200, %run_scoped3A_201, %dma_wait3A_217] : memref<2x2x128xi32, #tpu.memory_space<vmem>> -> memref<1x1x128xi32, #tpu.memory_space<vmem>>
        %dma_wait3A_219 = tpu.memref_squeeze %dma_wait3A_218 : memref<1x1x128xi32, #tpu.memory_space<vmem>> -> memref<128xi32, #tpu.memory_space<vmem>>
        %dma_wait3A_220 = arith.constant 0 : i32
        %dma_wait3A_221 = arith.constant 0 : i32
        %dma_wait3A_222 = tpu.memref_slice %arg7[%dma_wait3A_220, %dma_wait3A_221] : memref<10000x128xf32, #tpu.memory_space<vmem_shared>> -> memref<10000x128xf32, #tpu.memory_space<vmem_shared>>
        tpu.wait_indirect_dma semaphore(%run_scoped3A_202 : memref<!tpu.dma_semaphore, #tpu.memory_space<semaphore_mem>>) src(%dma_wait3A_216 : memref<128x128xf32, #tpu.memory_space<vmem>>) dst(%dma_wait3A_222 : memref<10000x128xf32, #tpu.memory_space<vmem_shared>>)
        tpu.yield
      }) : () -> ()
    } else {
    }
    %barrier3A_180 = arith.constant 0 : index
    tpu.barrier barrier_id(%barrier3A_180)
    %mul3A_181 = arith.constant 624 : i32
    %mul3A_182 = arith.muli %arg1, %mul3A_181 : i32
    %mul3A_183 = arith.constant 10000 : i32
    %mul3A_184 = arith.muli %arg0, %mul3A_183 : i32
    %mul3A_185 = arith.constant 624 : i32
    %mul3A_186 = arith.muli %arg1, %mul3A_185 : i32
    %add3A_187 = arith.addi %mul3A_184, %mul3A_186 : i32
    "tpu.region"() ({
      %run_scoped3A_193 = tpu.sem_alloc : memref<!tpu.dma_semaphore, #tpu.memory_space<semaphore_mem>>
      %dma_start3A_194 = arith.constant 0 : i32
      %dma_start3A_195 = tpu.memref_slice %arg4[%add3A_187, %dma_start3A_194] : memref<20000x128xf32, #tpu.memory_space<hbm>> -> memref<624x128xf32, #tpu.memory_space<hbm>>
      %dma_start3A_196 = arith.constant 0 : i32
      %dma_start3A_197 = tpu.memref_slice %arg7[%mul3A_182, %dma_start3A_196] : memref<10000x128xf32, #tpu.memory_space<vmem_shared>> -> memref<624x128xf32, #tpu.memory_space<vmem_shared>>
      tpu.enqueue_dma source(%dma_start3A_197 : memref<624x128xf32, #tpu.memory_space<vmem_shared>>) target(%dma_start3A_195 : memref<624x128xf32, #tpu.memory_space<hbm>>) target_semaphore(%run_scoped3A_193 : memref<!tpu.dma_semaphore, #tpu.memory_space<semaphore_mem>>)
      %dma_wait3A_198 = arith.constant 0 : i32
      %dma_wait3A_199 = tpu.memref_slice %arg4[%add3A_187, %dma_wait3A_198] : memref<20000x128xf32, #tpu.memory_space<hbm>> -> memref<624x128xf32, #tpu.memory_space<hbm>>
      %dma_wait3A_200 = arith.constant 0 : i32
      %dma_wait3A_201 = tpu.memref_slice %arg7[%mul3A_182, %dma_wait3A_200] : memref<10000x128xf32, #tpu.memory_space<vmem_shared>> -> memref<624x128xf32, #tpu.memory_space<vmem_shared>>
      tpu.wait_dma2 semaphore(%run_scoped3A_193 : memref<!tpu.dma_semaphore, #tpu.memory_space<semaphore_mem>>) src(%dma_wait3A_201 : memref<624x128xf32, #tpu.memory_space<vmem_shared>>) dst(%dma_wait3A_199 : memref<624x128xf32, #tpu.memory_space<hbm>>)
      tpu.yield
    }) : () -> ()
    %eq3A_188 = arith.constant 0 : i32
    %eq3A_189 = arith.cmpi eq, %arg1, %eq3A_188 : i32
    %convert_element_type3A_190 = arith.extui %eq3A_189 : i1 to i32
    %cond3A_191 = arith.constant 0 : i32
    %cond3A_192 = arith.cmpi ne, %convert_element_type3A_190, %cond3A_191 : i32
    scf.if %cond3A_192 {
      %mul3A_193 = arith.constant 10000 : i32
      %mul3A_194 = arith.muli %arg0, %mul3A_193 : i32
      %add3A_195 = arith.constant 9984 : i32
      %add3A_196 = arith.addi %mul3A_194, %add3A_195 : i32
      "tpu.region"() ({
        %run_scoped3A_197 = tpu.sem_alloc : memref<!tpu.dma_semaphore, #tpu.memory_space<semaphore_mem>>
        %dma_start3A_198 = arith.constant 0 : i32
        %dma_start3A_199 = tpu.memref_slice %arg4[%add3A_196, %dma_start3A_198] : memref<20000x128xf32, #tpu.memory_space<hbm>> -> memref<16x128xf32, #tpu.memory_space<hbm>>
        %dma_start3A_200 = arith.constant 9984 : i32
        %dma_start3A_201 = arith.constant 0 : i32
        %dma_start3A_202 = tpu.memref_slice %arg7[%dma_start3A_200, %dma_start3A_201] : memref<10000x128xf32, #tpu.memory_space<vmem_shared>> -> memref<16x128xf32, #tpu.memory_space<vmem_shared>>
        tpu.enqueue_dma source(%dma_start3A_202 : memref<16x128xf32, #tpu.memory_space<vmem_shared>>) target(%dma_start3A_199 : memref<16x128xf32, #tpu.memory_space<hbm>>) target_semaphore(%run_scoped3A_197 : memref<!tpu.dma_semaphore, #tpu.memory_space<semaphore_mem>>)
        %dma_wait3A_203 = arith.constant 0 : i32
        %dma_wait3A_204 = tpu.memref_slice %arg4[%add3A_196, %dma_wait3A_203] : memref<20000x128xf32, #tpu.memory_space<hbm>> -> memref<16x128xf32, #tpu.memory_space<hbm>>
        %dma_wait3A_205 = arith.constant 9984 : i32
        %dma_wait3A_206 = arith.constant 0 : i32
        %dma_wait3A_207 = tpu.memref_slice %arg7[%dma_wait3A_205, %dma_wait3A_206] : memref<10000x128xf32, #tpu.memory_space<vmem_shared>> -> memref<16x128xf32, #tpu.memory_space<vmem_shared>>
        tpu.wait_dma2 semaphore(%run_scoped3A_197 : memref<!tpu.dma_semaphore, #tpu.memory_space<semaphore_mem>>) src(%dma_wait3A_207 : memref<16x128xf32, #tpu.memory_space<vmem_shared>>) dst(%dma_wait3A_204 : memref<16x128xf32, #tpu.memory_space<hbm>>)
        tpu.yield
      }) : () -> ()
    } else {
    }
    return
  }
}

#map = affine_map<(d0, d1) -> (0)>
#map1 = affine_map<(d0, d1) -> (0, 0)>
module attributes {stable_mosaic.version = 14 : i64} {
  func.func @_tgather_kernel(%arg0: i32, %arg1: i32, %arg2: memref<10000xi32, #tpu.memory_space<hbm>>, %arg3: memref<2x320000xi32, #tpu.memory_space<hbm>>, %arg4: memref<320000xf32, #tpu.memory_space<hbm>>, %arg5: memref<1x320000xi32, #tpu.memory_space<hbm>>, %arg6: memref<1x320000xf32, #tpu.memory_space<hbm>>, %arg7: memref<10000xi32, #tpu.memory_space<vmem>>, %arg8: memref<2x9984xi32, #tpu.memory_space<vmem>>, %arg9: memref<9984xi32, #tpu.memory_space<vmem>>, %arg10: memref<9984xf32, #tpu.memory_space<vmem>>) attributes {dimension_semantics = [#tpu.dimension_semantics<core_parallel>, #tpu.dimension_semantics<subcore_parallel>], iteration_bounds = array<i64: 2, 16>, scalar_prefetch = 0 : i64, scratch_operands = 4 : i64, tpu.core_type = #tpu.core_type<sc_vector_subcore>, window_params = [{transform_indices = #map}, {transform_indices = #map1}, {transform_indices = #map}, {transform_indices = #map1}, {transform_indices = #map1}]} {
    %mul3A = arith.constant 2 : i32
    %mul3A_0 = arith.muli %arg1, %mul3A : i32
    %add3A = arith.addi %mul3A_0, %arg0 : i32
    %mul3A_1 = arith.constant 78 : i32
    %mul3A_2 = arith.muli %add3A, %mul3A_1 : i32
    %min3A = arith.constant 4 : i32
    %min3A_3 = arith.minsi %add3A, %min3A : i32
    %add3A_4 = arith.addi %mul3A_2, %min3A_3 : i32
    "tpu.region"() ({
      %run_scoped3A_15 = tpu.sem_alloc : memref<!tpu.dma_semaphore, #tpu.memory_space<semaphore_mem>>
      tpu.enqueue_dma source(%arg2 : memref<10000xi32, #tpu.memory_space<hbm>>) target(%arg7 : memref<10000xi32, #tpu.memory_space<vmem>>) target_semaphore(%run_scoped3A_15 : memref<!tpu.dma_semaphore, #tpu.memory_space<semaphore_mem>>)
      tpu.wait_dma2 semaphore(%run_scoped3A_15 : memref<!tpu.dma_semaphore, #tpu.memory_space<semaphore_mem>>) src(%arg2 : memref<10000xi32, #tpu.memory_space<hbm>>) dst(%arg7 : memref<10000xi32, #tpu.memory_space<vmem>>)
      tpu.yield
    }) : () -> ()
    %mul3A_5 = arith.constant 128 : i32
    %mul3A_6 = arith.muli %add3A_4, %mul3A_5 : i32
    "tpu.region"() ({
      %run_scoped3A_15 = tpu.sem_alloc : memref<!tpu.dma_semaphore, #tpu.memory_space<semaphore_mem>>
      %dma_start3A = arith.constant 0 : i32
      %dma_start3A_16 = arith.constant 0 : i32
      %dma_start3A_17 = tpu.memref_slice %arg8[%dma_start3A, %dma_start3A_16] : memref<2x9984xi32, #tpu.memory_space<vmem>> -> memref<2x9984xi32, #tpu.memory_space<vmem>>
      %dma_start3A_18 = arith.constant 0 : i32
      %dma_start3A_19 = tpu.memref_slice %arg3[%dma_start3A_18, %mul3A_6] : memref<2x320000xi32, #tpu.memory_space<hbm>> -> memref<2x9984xi32, #tpu.memory_space<hbm>>
      %dma_start3A_20 = arith.constant 0 : i32
      %dma_start3A_21 = arith.constant 0 : i32
      %dma_start3A_22 = tpu.memref_slice %arg8[%dma_start3A_20, %dma_start3A_21] : memref<2x9984xi32, #tpu.memory_space<vmem>> -> memref<2x9984xi32, #tpu.memory_space<vmem>>
      %dma_start3A_23 = arith.constant 0 : i32
      %dma_start3A_24 = tpu.memref_slice %arg3[%dma_start3A_23, %mul3A_6] : memref<2x320000xi32, #tpu.memory_space<hbm>> -> memref<2x9984xi32, #tpu.memory_space<hbm>>
      tpu.enqueue_dma source(%dma_start3A_24 : memref<2x9984xi32, #tpu.memory_space<hbm>>) target(%dma_start3A_22 : memref<2x9984xi32, #tpu.memory_space<vmem>>) target_semaphore(%run_scoped3A_15 : memref<!tpu.dma_semaphore, #tpu.memory_space<semaphore_mem>>)
      %dma_wait3A = arith.constant 0 : i32
      %dma_wait3A_25 = arith.constant 0 : i32
      %dma_wait3A_26 = tpu.memref_slice %arg8[%dma_wait3A, %dma_wait3A_25] : memref<2x9984xi32, #tpu.memory_space<vmem>> -> memref<2x9984xi32, #tpu.memory_space<vmem>>
      %dma_wait3A_27 = arith.constant 0 : i32
      %dma_wait3A_28 = tpu.memref_slice %arg3[%dma_wait3A_27, %mul3A_6] : memref<2x320000xi32, #tpu.memory_space<hbm>> -> memref<2x9984xi32, #tpu.memory_space<hbm>>
      %dma_wait3A_29 = arith.constant 0 : i32
      %dma_wait3A_30 = arith.constant 0 : i32
      %dma_wait3A_31 = tpu.memref_slice %arg8[%dma_wait3A_29, %dma_wait3A_30] : memref<2x9984xi32, #tpu.memory_space<vmem>> -> memref<2x9984xi32, #tpu.memory_space<vmem>>
      %dma_wait3A_32 = arith.constant 0 : i32
      %dma_wait3A_33 = tpu.memref_slice %arg3[%dma_wait3A_32, %mul3A_6] : memref<2x320000xi32, #tpu.memory_space<hbm>> -> memref<2x9984xi32, #tpu.memory_space<hbm>>
      tpu.wait_dma2 semaphore(%run_scoped3A_15 : memref<!tpu.dma_semaphore, #tpu.memory_space<semaphore_mem>>) src(%dma_wait3A_33 : memref<2x9984xi32, #tpu.memory_space<hbm>>) dst(%dma_wait3A_31 : memref<2x9984xi32, #tpu.memory_space<vmem>>)
      tpu.yield
    }) : () -> ()
    %scan3A = arith.constant 0 : i32
    %scan3A_7 = arith.constant 0 : i32
    %scan3A_8 = arith.constant 624 : i32
    %scan3A_9 = arith.addi %scan3A_7, %scan3A_8 : i32
    %scan3A_10 = arith.constant 1 : i32
    scf.for %scan3A_15 = %scan3A_7 to %scan3A_9 step %scan3A_10  : i32 {
      %mul3A_16 = arith.constant 16 : i32
      %mul3A_17 = arith.muli %scan3A_15, %mul3A_16 : i32
      %get3A = arith.constant 0 : i32
      %get3A_18 = arith.index_cast %get3A : i32 to index
      %get3A_19 = arith.index_cast %mul3A_17 : i32 to index
      %get3A_20 = tpu.vector_load %arg8[%get3A_18, %get3A_19] {strides = array<i32>} : memref<2x9984xi32, #tpu.memory_space<vmem>>, vector<16xi32>,
      %gather3A = tpu.vector_load_idx %arg7[%get3A_20] : memref<10000xi32, #tpu.memory_space<vmem>>[vector<16xi32>], vector<16xi32>,
      %mul3A_21 = arith.constant 16 : i32
      %mul3A_22 = arith.muli %scan3A_15, %mul3A_21 : i32
      %swap3A = arith.index_cast %mul3A_22 : i32 to index
      %swap3A_23 = tpu.vector_load %arg9[%swap3A] {strides = array<i32>} : memref<9984xi32, #tpu.memory_space<vmem>>, vector<16xi32>,
      tpu.vector_store %arg9[%swap3A], %gather3A {strides = array<i32>} : memref<9984xi32, #tpu.memory_space<vmem>>, vector<16xi32>,
    }
    %scan3A_11 = arith.constant 624 : i32
    %run_scoped3A = arith.constant 0 : i32
    "tpu.region"() ({
      %run_scoped3A_15 = tpu.sem_alloc : memref<!tpu.dma_semaphore, #tpu.memory_space<semaphore_mem>>
      %dma_start3A = arith.constant 0 : i32
      %dma_start3A_16 = tpu.memref_slice %arg9[%dma_start3A] : memref<9984xi32, #tpu.memory_space<vmem>> -> memref<9984xi32, #tpu.memory_space<vmem>>
      %dma_start3A_17 = tpu.memref_slice %arg5[%run_scoped3A, %mul3A_6] : memref<1x320000xi32, #tpu.memory_space<hbm>> -> memref<1x9984xi32, #tpu.memory_space<hbm>>
      %dma_start3A_18 = tpu.memref_squeeze %dma_start3A_17 : memref<1x9984xi32, #tpu.memory_space<hbm>> -> memref<9984xi32, #tpu.memory_space<hbm>>
      %dma_start3A_19 = tpu.memref_slice %arg5[%run_scoped3A, %mul3A_6] : memref<1x320000xi32, #tpu.memory_space<hbm>> -> memref<1x9984xi32, #tpu.memory_space<hbm>>
      %dma_start3A_20 = tpu.memref_squeeze %dma_start3A_19 : memref<1x9984xi32, #tpu.memory_space<hbm>> -> memref<9984xi32, #tpu.memory_space<hbm>>
      %dma_start3A_21 = arith.constant 0 : i32
      %dma_start3A_22 = tpu.memref_slice %arg9[%dma_start3A_21] : memref<9984xi32, #tpu.memory_space<vmem>> -> memref<9984xi32, #tpu.memory_space<vmem>>
      tpu.enqueue_dma source(%dma_start3A_22 : memref<9984xi32, #tpu.memory_space<vmem>>) target(%dma_start3A_20 : memref<9984xi32, #tpu.memory_space<hbm>>) target_semaphore(%run_scoped3A_15 : memref<!tpu.dma_semaphore, #tpu.memory_space<semaphore_mem>>)
      %dma_wait3A = arith.constant 0 : i32
      %dma_wait3A_23 = tpu.memref_slice %arg9[%dma_wait3A] : memref<9984xi32, #tpu.memory_space<vmem>> -> memref<9984xi32, #tpu.memory_space<vmem>>
      %dma_wait3A_24 = tpu.memref_slice %arg5[%run_scoped3A, %mul3A_6] : memref<1x320000xi32, #tpu.memory_space<hbm>> -> memref<1x9984xi32, #tpu.memory_space<hbm>>
      %dma_wait3A_25 = tpu.memref_squeeze %dma_wait3A_24 : memref<1x9984xi32, #tpu.memory_space<hbm>> -> memref<9984xi32, #tpu.memory_space<hbm>>
      %dma_wait3A_26 = tpu.memref_slice %arg5[%run_scoped3A, %mul3A_6] : memref<1x320000xi32, #tpu.memory_space<hbm>> -> memref<1x9984xi32, #tpu.memory_space<hbm>>
      %dma_wait3A_27 = tpu.memref_squeeze %dma_wait3A_26 : memref<1x9984xi32, #tpu.memory_space<hbm>> -> memref<9984xi32, #tpu.memory_space<hbm>>
      %dma_wait3A_28 = arith.constant 0 : i32
      %dma_wait3A_29 = tpu.memref_slice %arg9[%dma_wait3A_28] : memref<9984xi32, #tpu.memory_space<vmem>> -> memref<9984xi32, #tpu.memory_space<vmem>>
      tpu.wait_dma2 semaphore(%run_scoped3A_15 : memref<!tpu.dma_semaphore, #tpu.memory_space<semaphore_mem>>) src(%dma_wait3A_29 : memref<9984xi32, #tpu.memory_space<vmem>>) dst(%dma_wait3A_27 : memref<9984xi32, #tpu.memory_space<hbm>>)
      tpu.yield
    }) : () -> ()
    "tpu.region"() ({
      %run_scoped3A_15 = tpu.sem_alloc : memref<!tpu.dma_semaphore, #tpu.memory_space<semaphore_mem>>
      %dma_start3A = arith.constant 0 : i32
      %dma_start3A_16 = tpu.memref_slice %arg10[%dma_start3A] : memref<9984xf32, #tpu.memory_space<vmem>> -> memref<9984xf32, #tpu.memory_space<vmem>>
      %dma_start3A_17 = tpu.memref_slice %arg4[%mul3A_6] : memref<320000xf32, #tpu.memory_space<hbm>> -> memref<9984xf32, #tpu.memory_space<hbm>>
      %dma_start3A_18 = arith.constant 0 : i32
      %dma_start3A_19 = tpu.memref_slice %arg10[%dma_start3A_18] : memref<9984xf32, #tpu.memory_space<vmem>> -> memref<9984xf32, #tpu.memory_space<vmem>>
      %dma_start3A_20 = tpu.memref_slice %arg4[%mul3A_6] : memref<320000xf32, #tpu.memory_space<hbm>> -> memref<9984xf32, #tpu.memory_space<hbm>>
      tpu.enqueue_dma source(%dma_start3A_20 : memref<9984xf32, #tpu.memory_space<hbm>>) target(%dma_start3A_19 : memref<9984xf32, #tpu.memory_space<vmem>>) target_semaphore(%run_scoped3A_15 : memref<!tpu.dma_semaphore, #tpu.memory_space<semaphore_mem>>)
      %dma_wait3A = arith.constant 0 : i32
      %dma_wait3A_21 = tpu.memref_slice %arg10[%dma_wait3A] : memref<9984xf32, #tpu.memory_space<vmem>> -> memref<9984xf32, #tpu.memory_space<vmem>>
      %dma_wait3A_22 = tpu.memref_slice %arg4[%mul3A_6] : memref<320000xf32, #tpu.memory_space<hbm>> -> memref<9984xf32, #tpu.memory_space<hbm>>
      %dma_wait3A_23 = arith.constant 0 : i32
      %dma_wait3A_24 = tpu.memref_slice %arg10[%dma_wait3A_23] : memref<9984xf32, #tpu.memory_space<vmem>> -> memref<9984xf32, #tpu.memory_space<vmem>>
      %dma_wait3A_25 = tpu.memref_slice %arg4[%mul3A_6] : memref<320000xf32, #tpu.memory_space<hbm>> -> memref<9984xf32, #tpu.memory_space<hbm>>
      tpu.wait_dma2 semaphore(%run_scoped3A_15 : memref<!tpu.dma_semaphore, #tpu.memory_space<semaphore_mem>>) src(%dma_wait3A_25 : memref<9984xf32, #tpu.memory_space<hbm>>) dst(%dma_wait3A_24 : memref<9984xf32, #tpu.memory_space<vmem>>)
      tpu.yield
    }) : () -> ()
    %run_scoped3A_12 = arith.constant 0 : i32
    "tpu.region"() ({
      %run_scoped3A_15 = tpu.sem_alloc : memref<!tpu.dma_semaphore, #tpu.memory_space<semaphore_mem>>
      %dma_start3A = arith.constant 0 : i32
      %dma_start3A_16 = tpu.memref_slice %arg10[%dma_start3A] : memref<9984xf32, #tpu.memory_space<vmem>> -> memref<9984xf32, #tpu.memory_space<vmem>>
      %dma_start3A_17 = tpu.memref_slice %arg6[%run_scoped3A_12, %mul3A_6] : memref<1x320000xf32, #tpu.memory_space<hbm>> -> memref<1x9984xf32, #tpu.memory_space<hbm>>
      %dma_start3A_18 = tpu.memref_squeeze %dma_start3A_17 : memref<1x9984xf32, #tpu.memory_space<hbm>> -> memref<9984xf32, #tpu.memory_space<hbm>>
      %dma_start3A_19 = tpu.memref_slice %arg6[%run_scoped3A_12, %mul3A_6] : memref<1x320000xf32, #tpu.memory_space<hbm>> -> memref<1x9984xf32, #tpu.memory_space<hbm>>
      %dma_start3A_20 = tpu.memref_squeeze %dma_start3A_19 : memref<1x9984xf32, #tpu.memory_space<hbm>> -> memref<9984xf32, #tpu.memory_space<hbm>>
      %dma_start3A_21 = arith.constant 0 : i32
      %dma_start3A_22 = tpu.memref_slice %arg10[%dma_start3A_21] : memref<9984xf32, #tpu.memory_space<vmem>> -> memref<9984xf32, #tpu.memory_space<vmem>>
      tpu.enqueue_dma source(%dma_start3A_22 : memref<9984xf32, #tpu.memory_space<vmem>>) target(%dma_start3A_20 : memref<9984xf32, #tpu.memory_space<hbm>>) target_semaphore(%run_scoped3A_15 : memref<!tpu.dma_semaphore, #tpu.memory_space<semaphore_mem>>)
      %dma_wait3A = arith.constant 0 : i32
      %dma_wait3A_23 = tpu.memref_slice %arg10[%dma_wait3A] : memref<9984xf32, #tpu.memory_space<vmem>> -> memref<9984xf32, #tpu.memory_space<vmem>>
      %dma_wait3A_24 = tpu.memref_slice %arg6[%run_scoped3A_12, %mul3A_6] : memref<1x320000xf32, #tpu.memory_space<hbm>> -> memref<1x9984xf32, #tpu.memory_space<hbm>>
      %dma_wait3A_25 = tpu.memref_squeeze %dma_wait3A_24 : memref<1x9984xf32, #tpu.memory_space<hbm>> -> memref<9984xf32, #tpu.memory_space<hbm>>
      %dma_wait3A_26 = tpu.memref_slice %arg6[%run_scoped3A_12, %mul3A_6] : memref<1x320000xf32, #tpu.memory_space<hbm>> -> memref<1x9984xf32, #tpu.memory_space<hbm>>
      %dma_wait3A_27 = tpu.memref_squeeze %dma_wait3A_26 : memref<1x9984xf32, #tpu.memory_space<hbm>> -> memref<9984xf32, #tpu.memory_space<hbm>>
      %dma_wait3A_28 = arith.constant 0 : i32
      %dma_wait3A_29 = tpu.memref_slice %arg10[%dma_wait3A_28] : memref<9984xf32, #tpu.memory_space<vmem>> -> memref<9984xf32, #tpu.memory_space<vmem>>
      tpu.wait_dma2 semaphore(%run_scoped3A_15 : memref<!tpu.dma_semaphore, #tpu.memory_space<semaphore_mem>>) src(%dma_wait3A_29 : memref<9984xf32, #tpu.memory_space<vmem>>) dst(%dma_wait3A_27 : memref<9984xf32, #tpu.memory_space<hbm>>)
      tpu.yield
    }) : () -> ()
    %lt3A = arith.constant 4 : i32
    %lt3A_13 = arith.cmpi slt, %add3A, %lt3A : i32
    %convert_element_type3A = arith.extui %lt3A_13 : i1 to i32
    %cond3A = arith.constant 0 : i32
    %cond3A_14 = arith.cmpi ne, %convert_element_type3A, %cond3A : i32
    scf.if %cond3A_14 {
      %add3A_15 = arith.constant 78 : i32
      %add3A_16 = arith.addi %add3A_4, %add3A_15 : i32
      %mul3A_17 = arith.constant 128 : i32
      %mul3A_18 = arith.muli %add3A_16, %mul3A_17 : i32
      "tpu.region"() ({
        %run_scoped3A_27 = tpu.sem_alloc : memref<!tpu.dma_semaphore, #tpu.memory_space<semaphore_mem>>
        %dma_start3A = arith.constant 0 : i32
        %dma_start3A_28 = arith.constant 0 : i32
        %dma_start3A_29 = tpu.memref_slice %arg8[%dma_start3A, %dma_start3A_28] : memref<2x9984xi32, #tpu.memory_space<vmem>> -> memref<2x128xi32, #tpu.memory_space<vmem>>
        %dma_start3A_30 = arith.constant 0 : i32
        %dma_start3A_31 = tpu.memref_slice %arg3[%dma_start3A_30, %mul3A_18] : memref<2x320000xi32, #tpu.memory_space<hbm>> -> memref<2x128xi32, #tpu.memory_space<hbm>>
        %dma_start3A_32 = arith.constant 0 : i32
        %dma_start3A_33 = arith.constant 0 : i32
        %dma_start3A_34 = tpu.memref_slice %arg8[%dma_start3A_32, %dma_start3A_33] : memref<2x9984xi32, #tpu.memory_space<vmem>> -> memref<2x128xi32, #tpu.memory_space<vmem>>
        %dma_start3A_35 = arith.constant 0 : i32
        %dma_start3A_36 = tpu.memref_slice %arg3[%dma_start3A_35, %mul3A_18] : memref<2x320000xi32, #tpu.memory_space<hbm>> -> memref<2x128xi32, #tpu.memory_space<hbm>>
        tpu.enqueue_dma source(%dma_start3A_36 : memref<2x128xi32, #tpu.memory_space<hbm>>) target(%dma_start3A_34 : memref<2x128xi32, #tpu.memory_space<vmem>>) target_semaphore(%run_scoped3A_27 : memref<!tpu.dma_semaphore, #tpu.memory_space<semaphore_mem>>)
        %dma_wait3A = arith.constant 0 : i32
        %dma_wait3A_37 = arith.constant 0 : i32
        %dma_wait3A_38 = tpu.memref_slice %arg8[%dma_wait3A, %dma_wait3A_37] : memref<2x9984xi32, #tpu.memory_space<vmem>> -> memref<2x128xi32, #tpu.memory_space<vmem>>
        %dma_wait3A_39 = arith.constant 0 : i32
        %dma_wait3A_40 = tpu.memref_slice %arg3[%dma_wait3A_39, %mul3A_18] : memref<2x320000xi32, #tpu.memory_space<hbm>> -> memref<2x128xi32, #tpu.memory_space<hbm>>
        %dma_wait3A_41 = arith.constant 0 : i32
        %dma_wait3A_42 = arith.constant 0 : i32
        %dma_wait3A_43 = tpu.memref_slice %arg8[%dma_wait3A_41, %dma_wait3A_42] : memref<2x9984xi32, #tpu.memory_space<vmem>> -> memref<2x128xi32, #tpu.memory_space<vmem>>
        %dma_wait3A_44 = arith.constant 0 : i32
        %dma_wait3A_45 = tpu.memref_slice %arg3[%dma_wait3A_44, %mul3A_18] : memref<2x320000xi32, #tpu.memory_space<hbm>> -> memref<2x128xi32, #tpu.memory_space<hbm>>
        tpu.wait_dma2 semaphore(%run_scoped3A_27 : memref<!tpu.dma_semaphore, #tpu.memory_space<semaphore_mem>>) src(%dma_wait3A_45 : memref<2x128xi32, #tpu.memory_space<hbm>>) dst(%dma_wait3A_43 : memref<2x128xi32, #tpu.memory_space<vmem>>)
        tpu.yield
      }) : () -> ()
      %scan3A_19 = arith.constant 0 : i32
      %scan3A_20 = arith.constant 0 : i32
      %scan3A_21 = arith.constant 8 : i32
      %scan3A_22 = arith.addi %scan3A_20, %scan3A_21 : i32
      %scan3A_23 = arith.constant 1 : i32
      scf.for %scan3A_27 = %scan3A_20 to %scan3A_22 step %scan3A_23  : i32 {
        %mul3A_28 = arith.constant 16 : i32
        %mul3A_29 = arith.muli %scan3A_27, %mul3A_28 : i32
        %get3A = arith.constant 0 : i32
        %get3A_30 = arith.index_cast %get3A : i32 to index
        %get3A_31 = arith.index_cast %mul3A_29 : i32 to index
        %get3A_32 = tpu.vector_load %arg8[%get3A_30, %get3A_31] {strides = array<i32>} : memref<2x9984xi32, #tpu.memory_space<vmem>>, vector<16xi32>,
        %gather3A = tpu.vector_load_idx %arg7[%get3A_32] : memref<10000xi32, #tpu.memory_space<vmem>>[vector<16xi32>], vector<16xi32>,
        %mul3A_33 = arith.constant 16 : i32
        %mul3A_34 = arith.muli %scan3A_27, %mul3A_33 : i32
        %swap3A = arith.index_cast %mul3A_34 : i32 to index
        %swap3A_35 = tpu.vector_load %arg9[%swap3A] {strides = array<i32>} : memref<9984xi32, #tpu.memory_space<vmem>>, vector<16xi32>,
        tpu.vector_store %arg9[%swap3A], %gather3A {strides = array<i32>} : memref<9984xi32, #tpu.memory_space<vmem>>, vector<16xi32>,
      }
      %scan3A_24 = arith.constant 8 : i32
      %run_scoped3A_25 = arith.constant 0 : i32
      "tpu.region"() ({
        %run_scoped3A_27 = tpu.sem_alloc : memref<!tpu.dma_semaphore, #tpu.memory_space<semaphore_mem>>
        %dma_start3A = arith.constant 0 : i32
        %dma_start3A_28 = tpu.memref_slice %arg9[%dma_start3A] : memref<9984xi32, #tpu.memory_space<vmem>> -> memref<128xi32, #tpu.memory_space<vmem>>
        %dma_start3A_29 = tpu.memref_slice %arg5[%run_scoped3A_25, %mul3A_18] : memref<1x320000xi32, #tpu.memory_space<hbm>> -> memref<1x128xi32, #tpu.memory_space<hbm>>
        %dma_start3A_30 = tpu.memref_squeeze %dma_start3A_29 : memref<1x128xi32, #tpu.memory_space<hbm>> -> memref<128xi32, #tpu.memory_space<hbm>>
        %dma_start3A_31 = tpu.memref_slice %arg5[%run_scoped3A_25, %mul3A_18] : memref<1x320000xi32, #tpu.memory_space<hbm>> -> memref<1x128xi32, #tpu.memory_space<hbm>>
        %dma_start3A_32 = tpu.memref_squeeze %dma_start3A_31 : memref<1x128xi32, #tpu.memory_space<hbm>> -> memref<128xi32, #tpu.memory_space<hbm>>
        %dma_start3A_33 = arith.constant 0 : i32
        %dma_start3A_34 = tpu.memref_slice %arg9[%dma_start3A_33] : memref<9984xi32, #tpu.memory_space<vmem>> -> memref<128xi32, #tpu.memory_space<vmem>>
        tpu.enqueue_dma source(%dma_start3A_34 : memref<128xi32, #tpu.memory_space<vmem>>) target(%dma_start3A_32 : memref<128xi32, #tpu.memory_space<hbm>>) target_semaphore(%run_scoped3A_27 : memref<!tpu.dma_semaphore, #tpu.memory_space<semaphore_mem>>)
        %dma_wait3A = arith.constant 0 : i32
        %dma_wait3A_35 = tpu.memref_slice %arg9[%dma_wait3A] : memref<9984xi32, #tpu.memory_space<vmem>> -> memref<128xi32, #tpu.memory_space<vmem>>
        %dma_wait3A_36 = tpu.memref_slice %arg5[%run_scoped3A_25, %mul3A_18] : memref<1x320000xi32, #tpu.memory_space<hbm>> -> memref<1x128xi32, #tpu.memory_space<hbm>>
        %dma_wait3A_37 = tpu.memref_squeeze %dma_wait3A_36 : memref<1x128xi32, #tpu.memory_space<hbm>> -> memref<128xi32, #tpu.memory_space<hbm>>
        %dma_wait3A_38 = tpu.memref_slice %arg5[%run_scoped3A_25, %mul3A_18] : memref<1x320000xi32, #tpu.memory_space<hbm>> -> memref<1x128xi32, #tpu.memory_space<hbm>>
        %dma_wait3A_39 = tpu.memref_squeeze %dma_wait3A_38 : memref<1x128xi32, #tpu.memory_space<hbm>> -> memref<128xi32, #tpu.memory_space<hbm>>
        %dma_wait3A_40 = arith.constant 0 : i32
        %dma_wait3A_41 = tpu.memref_slice %arg9[%dma_wait3A_40] : memref<9984xi32, #tpu.memory_space<vmem>> -> memref<128xi32, #tpu.memory_space<vmem>>
        tpu.wait_dma2 semaphore(%run_scoped3A_27 : memref<!tpu.dma_semaphore, #tpu.memory_space<semaphore_mem>>) src(%dma_wait3A_41 : memref<128xi32, #tpu.memory_space<vmem>>) dst(%dma_wait3A_39 : memref<128xi32, #tpu.memory_space<hbm>>)
        tpu.yield
      }) : () -> ()
      "tpu.region"() ({
        %run_scoped3A_27 = tpu.sem_alloc : memref<!tpu.dma_semaphore, #tpu.memory_space<semaphore_mem>>
        %dma_start3A = arith.constant 0 : i32
        %dma_start3A_28 = tpu.memref_slice %arg10[%dma_start3A] : memref<9984xf32, #tpu.memory_space<vmem>> -> memref<128xf32, #tpu.memory_space<vmem>>
        %dma_start3A_29 = tpu.memref_slice %arg4[%mul3A_18] : memref<320000xf32, #tpu.memory_space<hbm>> -> memref<128xf32, #tpu.memory_space<hbm>>
        %dma_start3A_30 = arith.constant 0 : i32
        %dma_start3A_31 = tpu.memref_slice %arg10[%dma_start3A_30] : memref<9984xf32, #tpu.memory_space<vmem>> -> memref<128xf32, #tpu.memory_space<vmem>>
        %dma_start3A_32 = tpu.memref_slice %arg4[%mul3A_18] : memref<320000xf32, #tpu.memory_space<hbm>> -> memref<128xf32, #tpu.memory_space<hbm>>
        tpu.enqueue_dma source(%dma_start3A_32 : memref<128xf32, #tpu.memory_space<hbm>>) target(%dma_start3A_31 : memref<128xf32, #tpu.memory_space<vmem>>) target_semaphore(%run_scoped3A_27 : memref<!tpu.dma_semaphore, #tpu.memory_space<semaphore_mem>>)
        %dma_wait3A = arith.constant 0 : i32
        %dma_wait3A_33 = tpu.memref_slice %arg10[%dma_wait3A] : memref<9984xf32, #tpu.memory_space<vmem>> -> memref<128xf32, #tpu.memory_space<vmem>>
        %dma_wait3A_34 = tpu.memref_slice %arg4[%mul3A_18] : memref<320000xf32, #tpu.memory_space<hbm>> -> memref<128xf32, #tpu.memory_space<hbm>>
        %dma_wait3A_35 = arith.constant 0 : i32
        %dma_wait3A_36 = tpu.memref_slice %arg10[%dma_wait3A_35] : memref<9984xf32, #tpu.memory_space<vmem>> -> memref<128xf32, #tpu.memory_space<vmem>>
        %dma_wait3A_37 = tpu.memref_slice %arg4[%mul3A_18] : memref<320000xf32, #tpu.memory_space<hbm>> -> memref<128xf32, #tpu.memory_space<hbm>>
        tpu.wait_dma2 semaphore(%run_scoped3A_27 : memref<!tpu.dma_semaphore, #tpu.memory_space<semaphore_mem>>) src(%dma_wait3A_37 : memref<128xf32, #tpu.memory_space<hbm>>) dst(%dma_wait3A_36 : memref<128xf32, #tpu.memory_space<vmem>>)
        tpu.yield
      }) : () -> ()
      %run_scoped3A_26 = arith.constant 0 : i32
      "tpu.region"() ({
        %run_scoped3A_27 = tpu.sem_alloc : memref<!tpu.dma_semaphore, #tpu.memory_space<semaphore_mem>>
        %dma_start3A = arith.constant 0 : i32
        %dma_start3A_28 = tpu.memref_slice %arg10[%dma_start3A] : memref<9984xf32, #tpu.memory_space<vmem>> -> memref<128xf32, #tpu.memory_space<vmem>>
        %dma_start3A_29 = tpu.memref_slice %arg6[%run_scoped3A_26, %mul3A_18] : memref<1x320000xf32, #tpu.memory_space<hbm>> -> memref<1x128xf32, #tpu.memory_space<hbm>>
        %dma_start3A_30 = tpu.memref_squeeze %dma_start3A_29 : memref<1x128xf32, #tpu.memory_space<hbm>> -> memref<128xf32, #tpu.memory_space<hbm>>
        %dma_start3A_31 = tpu.memref_slice %arg6[%run_scoped3A_26, %mul3A_18] : memref<1x320000xf32, #tpu.memory_space<hbm>> -> memref<1x128xf32, #tpu.memory_space<hbm>>
        %dma_start3A_32 = tpu.memref_squeeze %dma_start3A_31 : memref<1x128xf32, #tpu.memory_space<hbm>> -> memref<128xf32, #tpu.memory_space<hbm>>
        %dma_start3A_33 = arith.constant 0 : i32
        %dma_start3A_34 = tpu.memref_slice %arg10[%dma_start3A_33] : memref<9984xf32, #tpu.memory_space<vmem>> -> memref<128xf32, #tpu.memory_space<vmem>>
        tpu.enqueue_dma source(%dma_start3A_34 : memref<128xf32, #tpu.memory_space<vmem>>) target(%dma_start3A_32 : memref<128xf32, #tpu.memory_space<hbm>>) target_semaphore(%run_scoped3A_27 : memref<!tpu.dma_semaphore, #tpu.memory_space<semaphore_mem>>)
        %dma_wait3A = arith.constant 0 : i32
        %dma_wait3A_35 = tpu.memref_slice %arg10[%dma_wait3A] : memref<9984xf32, #tpu.memory_space<vmem>> -> memref<128xf32, #tpu.memory_space<vmem>>
        %dma_wait3A_36 = tpu.memref_slice %arg6[%run_scoped3A_26, %mul3A_18] : memref<1x320000xf32, #tpu.memory_space<hbm>> -> memref<1x128xf32, #tpu.memory_space<hbm>>
        %dma_wait3A_37 = tpu.memref_squeeze %dma_wait3A_36 : memref<1x128xf32, #tpu.memory_space<hbm>> -> memref<128xf32, #tpu.memory_space<hbm>>
        %dma_wait3A_38 = tpu.memref_slice %arg6[%run_scoped3A_26, %mul3A_18] : memref<1x320000xf32, #tpu.memory_space<hbm>> -> memref<1x128xf32, #tpu.memory_space<hbm>>
        %dma_wait3A_39 = tpu.memref_squeeze %dma_wait3A_38 : memref<1x128xf32, #tpu.memory_space<hbm>> -> memref<128xf32, #tpu.memory_space<hbm>>
        %dma_wait3A_40 = arith.constant 0 : i32
        %dma_wait3A_41 = tpu.memref_slice %arg10[%dma_wait3A_40] : memref<9984xf32, #tpu.memory_space<vmem>> -> memref<128xf32, #tpu.memory_space<vmem>>
        tpu.wait_dma2 semaphore(%run_scoped3A_27 : memref<!tpu.dma_semaphore, #tpu.memory_space<semaphore_mem>>) src(%dma_wait3A_41 : memref<128xf32, #tpu.memory_space<vmem>>) dst(%dma_wait3A_39 : memref<128xf32, #tpu.memory_space<hbm>>)
        tpu.yield
      }) : () -> ()
    } else {
    }
    return
  }
}

module attributes {stable_mosaic.version = 14 : i64} {
  func.func @_msg_kernel(%arg0: i32, %arg1: memref<16x3200xf32, #tpu.memory_space<vmem>>, %arg2: memref<1x3200xi32, #tpu.memory_space<vmem>>, %arg3: memref<1x3200xf32, #tpu.memory_space<vmem>>, %arg4: memref<16x128xf32, #tpu.memory_space<vmem>>, %arg5: memref<1x128xf32, #tpu.memory_space<vmem>>, %arg6: memref<128x128xf32, #tpu.memory_space<vmem>>, %arg7: memref<3200x128xf32, #tpu.memory_space<vmem>>) attributes {dimension_semantics = [#tpu.dimension_semantics<arbitrary>], iteration_bounds = array<i64: 100>, scalar_prefetch = 0 : i64, scratch_operands = 0 : i64, tpu.core_type = #tpu.core_type<tc>, window_params = [{transform_indices = @transform_0, window_bounds = array<i64: 16, 3200>}, {transform_indices = @transform_1, window_bounds = array<i64: 1, 3200>}, {transform_indices = @transform_2, window_bounds = array<i64: 1, 3200>}, {pipeline_mode = #tpu.pipeline_mode<synchronous>, transform_indices = @transform_3, window_bounds = array<i64: 16, 128>}, {pipeline_mode = #tpu.pipeline_mode<synchronous>, transform_indices = @transform_4, window_bounds = array<i64: 1, 128>}, {pipeline_mode = #tpu.pipeline_mode<synchronous>, transform_indices = @transform_5, window_bounds = array<i64: 128, 128>}, {transform_indices = @transform_6, window_bounds = array<i64: 3200, 128>}]} {
    %get3A = arith.constant 0 : index
    %get3A_0 = arith.constant 0 : index
    %get3A_1 = vector.load %arg2[%get3A, %get3A_0] : memref<1x3200xi32, #tpu.memory_space<vmem>>, vector<1x3200xi32>
    %get3A_2 = arith.constant 0 : index
    %get3A_3 = arith.constant 0 : index
    %get3A_4 = vector.load %arg3[%get3A_2, %get3A_3] : memref<1x3200xf32, #tpu.memory_space<vmem>>, vector<1x3200xf32>
    %mul3A = arith.constant 0.628318548 : f32
    %mul3A_5 = vector.broadcast %mul3A : f32 to vector<1x3200xf32>
    %mul3A_6 = arith.mulf %get3A_4, %mul3A_5 : vector<1x3200xf32>
    %cos3A = math.cos %mul3A_6 : vector<1x3200xf32>
    %add3A = arith.constant 1.000000e+00 : f32
    %add3A_7 = vector.broadcast %add3A : f32 to vector<1x3200xf32>
    %add3A_8 = arith.addf %cos3A, %add3A_7 : vector<1x3200xf32>
    %mul3A_9 = arith.constant 5.000000e-01 : f32
    %mul3A_10 = vector.broadcast %mul3A_9 : f32 to vector<1x3200xf32>
    %mul3A_11 = arith.mulf %mul3A_10, %add3A_8 : vector<1x3200xf32>
    %lt3A = arith.constant 5.000000e+00 : f32
    %lt3A_12 = vector.broadcast %lt3A : f32 to vector<1x3200xf32>
    %lt3A_13 = arith.cmpf olt, %get3A_4, %lt3A_12 : vector<1x3200xf32>
    %convert_element_type3A = arith.extui %lt3A_13 : vector<1x3200xi1> to vector<1x3200xi32>
    %convert_element_type3A_14 = arith.sitofp %convert_element_type3A : vector<1x3200xi32> to vector<1x3200xf32>
    %mul3A_15 = arith.mulf %mul3A_11, %convert_element_type3A_14 : vector<1x3200xf32>
    %iota3A = tpu.iota {dimensions = array<i32: 0>} : vector<128x3200xi32>
    %eq3A = vector.broadcast %get3A_1 : vector<1x3200xi32> to vector<128x3200xi32>
    %eq3A_16 = arith.cmpi eq, %eq3A, %iota3A : vector<128x3200xi32>
    %convert_element_type3A_17 = arith.extui %eq3A_16 : vector<128x3200xi1> to vector<128x3200xi32>
    %convert_element_type3A_18 = arith.sitofp %convert_element_type3A_17 : vector<128x3200xi32> to vector<128x3200xf32>
    %mul3A_19 = vector.broadcast %mul3A_15 : vector<1x3200xf32> to vector<128x3200xf32>
    %mul3A_20 = arith.mulf %convert_element_type3A_18, %mul3A_19 : vector<128x3200xf32>
    %get3A_21 = arith.constant 0 : index
    %get3A_22 = arith.constant 0 : index
    %get3A_23 = vector.load %arg6[%get3A_21, %get3A_22] : memref<128x128xf32, #tpu.memory_space<vmem>>, vector<128x128xf32>
    %dot_general3A = arith.constant dense<0.000000e+00> : vector<3200x128xf32>
    %dot_general3A_24 = tpu.matmul %mul3A_20, %get3A_23, %dot_general3A {dimension_numbers = #tpu.dot_dimension_numbers<[0], [0], [1], [1], [0, 1, 1, 1], [], []>, transpose_lhs_hint = false} : vector<128x3200xf32>, vector<128x128xf32>, vector<3200x128xf32> -> vector<3200x128xf32>
    %get3A_25 = arith.constant 0 : index
    %get3A_26 = arith.constant 0 : index
    %get3A_27 = vector.load %arg1[%get3A_25, %get3A_26] : memref<16x3200xf32, #tpu.memory_space<vmem>>, vector<16x3200xf32>
    %get3A_28 = arith.constant 0 : index
    %get3A_29 = arith.constant 0 : index
    %get3A_30 = vector.load %arg4[%get3A_28, %get3A_29] : memref<16x128xf32, #tpu.memory_space<vmem>>, vector<16x128xf32>
    %dot_general3A_31 = arith.constant dense<0.000000e+00> : vector<3200x128xf32>
    %dot_general3A_32 = tpu.matmul %get3A_27, %get3A_30, %dot_general3A_31 {dimension_numbers = #tpu.dot_dimension_numbers<[0], [0], [1], [1], [0, 1, 1, 1], [], []>, transpose_lhs_hint = false} : vector<16x3200xf32>, vector<16x128xf32>, vector<3200x128xf32> -> vector<3200x128xf32>
    %get3A_33 = arith.constant 0 : index
    %get3A_34 = arith.constant 0 : index
    %get3A_35 = vector.load %arg5[%get3A_33, %get3A_34] : memref<1x128xf32, #tpu.memory_space<vmem>>, vector<1x128xf32>
    %add3A_36 = vector.broadcast %get3A_35 : vector<1x128xf32> to vector<3200x128xf32>
    %add3A_37 = arith.addf %dot_general3A_32, %add3A_36 : vector<3200x128xf32>
    %mul3A_38 = arith.mulf %dot_general3A_24, %add3A_37 : vector<3200x128xf32>
    %swap3A = arith.constant 0 : index
    %swap3A_39 = arith.constant 0 : index
    %swap3A_40 = vector.load %arg7[%swap3A, %swap3A_39] : memref<3200x128xf32, #tpu.memory_space<vmem>>, vector<3200x128xf32>
    tpu.vector_store %arg7[%swap3A, %swap3A_39], %mul3A_38 {strides = array<i32>} : memref<3200x128xf32, #tpu.memory_space<vmem>>, vector<3200x128xf32>,
    return
  }
  func.func @transform_0(%arg0: i32) -> (i32, i32) {
    %c0_i32 = arith.constant 0 : i32
    %c0_i32_0 = arith.constant 0 : i32
    return %c0_i32, %arg0 : i32, i32
  }
  func.func @transform_1(%arg0: i32) -> (i32, i32) {
    %c0_i32 = arith.constant 0 : i32
    %c0_i32_0 = arith.constant 0 : i32
    return %c0_i32, %arg0 : i32, i32
  }
  func.func @transform_2(%arg0: i32) -> (i32, i32) {
    %c0_i32 = arith.constant 0 : i32
    %c0_i32_0 = arith.constant 0 : i32
    return %c0_i32, %arg0 : i32, i32
  }
  func.func @transform_3(%arg0: i32) -> (i32, i32) {
    %c0_i32 = arith.constant 0 : i32
    %c0_i32_0 = arith.constant 0 : i32
    %c0_i32_1 = arith.constant 0 : i32
    return %c0_i32, %c0_i32_0 : i32, i32
  }
  func.func @transform_4(%arg0: i32) -> (i32, i32) {
    %c0_i32 = arith.constant 0 : i32
    %c0_i32_0 = arith.constant 0 : i32
    %c0_i32_1 = arith.constant 0 : i32
    return %c0_i32, %c0_i32_0 : i32, i32
  }
  func.func @transform_5(%arg0: i32) -> (i32, i32) {
    %c0_i32 = arith.constant 0 : i32
    %c0_i32_0 = arith.constant 0 : i32
    %c0_i32_1 = arith.constant 0 : i32
    return %c0_i32, %c0_i32_0 : i32, i32
  }
  func.func @transform_6(%arg0: i32) -> (i32, i32) {
    %c0_i32 = arith.constant 0 : i32
    %c0_i32_0 = arith.constant 0 : i32
    return %arg0, %c0_i32 : i32, i32
  }
}

module attributes {stable_mosaic.version = 14 : i64} {
  func.func @_comb_kernel(%arg0: i32, %arg1: memref<2000x128xf32, #tpu.memory_space<vmem>>, %arg2: memref<2000x128xf32, #tpu.memory_space<vmem>>, %arg3: memref<2000x128xf32, #tpu.memory_space<vmem>>, %arg4: memref<128x128xf32, #tpu.memory_space<vmem>>, %arg5: memref<128x128xf32, #tpu.memory_space<vmem>>, %arg6: memref<1x128xf32, #tpu.memory_space<vmem>>, %arg7: memref<2000x128xf32, #tpu.memory_space<vmem>>) attributes {dimension_semantics = [#tpu.dimension_semantics<arbitrary>], iteration_bounds = array<i64: 5>, scalar_prefetch = 0 : i64, scratch_operands = 0 : i64, tpu.core_type = #tpu.core_type<tc>, window_params = [{transform_indices = @transform_0, window_bounds = array<i64: 2000, 128>}, {transform_indices = @transform_1, window_bounds = array<i64: 2000, 128>}, {transform_indices = @transform_2, window_bounds = array<i64: 2000, 128>}, {pipeline_mode = #tpu.pipeline_mode<synchronous>, transform_indices = @transform_3, window_bounds = array<i64: 128, 128>}, {pipeline_mode = #tpu.pipeline_mode<synchronous>, transform_indices = @transform_4, window_bounds = array<i64: 128, 128>}, {pipeline_mode = #tpu.pipeline_mode<synchronous>, transform_indices = @transform_5, window_bounds = array<i64: 1, 128>}, {transform_indices = @transform_6, window_bounds = array<i64: 2000, 128>}]} {
    %get3A = arith.constant 0 : index
    %get3A_0 = arith.constant 0 : index
    %get3A_1 = vector.load %arg2[%get3A, %get3A_0] : memref<2000x128xf32, #tpu.memory_space<vmem>>, vector<2000x128xf32>
    %get3A_2 = arith.constant 0 : index
    %get3A_3 = arith.constant 0 : index
    %get3A_4 = vector.load %arg3[%get3A_2, %get3A_3] : memref<2000x128xf32, #tpu.memory_space<vmem>>, vector<2000x128xf32>
    %add3A = arith.addf %get3A_1, %get3A_4 : vector<2000x128xf32>
    %get3A_5 = arith.constant 0 : index
    %get3A_6 = arith.constant 0 : index
    %get3A_7 = vector.load %arg1[%get3A_5, %get3A_6] : memref<2000x128xf32, #tpu.memory_space<vmem>>, vector<2000x128xf32>
    %get3A_8 = arith.constant 0 : index
    %get3A_9 = arith.constant 0 : index
    %get3A_10 = vector.load %arg4[%get3A_8, %get3A_9] : memref<128x128xf32, #tpu.memory_space<vmem>>, vector<128x128xf32>
    %dot_general3A = arith.constant dense<0.000000e+00> : vector<2000x128xf32>
    %dot_general3A_11 = tpu.matmul %get3A_7, %get3A_10, %dot_general3A {dimension_numbers = #tpu.dot_dimension_numbers<[1], [0], [0], [1], [0, 0, 1, 1], [], []>, transpose_lhs_hint = false} : vector<2000x128xf32>, vector<128x128xf32>, vector<2000x128xf32> -> vector<2000x128xf32>
    %get3A_12 = arith.constant 0 : index
    %get3A_13 = arith.constant 0 : index
    %get3A_14 = vector.load %arg5[%get3A_12, %get3A_13] : memref<128x128xf32, #tpu.memory_space<vmem>>, vector<128x128xf32>
    %dot_general3A_15 = arith.constant dense<0.000000e+00> : vector<2000x128xf32>
    %dot_general3A_16 = tpu.matmul %add3A, %get3A_14, %dot_general3A_15 {dimension_numbers = #tpu.dot_dimension_numbers<[1], [0], [0], [1], [0, 0, 1, 1], [], []>, transpose_lhs_hint = false} : vector<2000x128xf32>, vector<128x128xf32>, vector<2000x128xf32> -> vector<2000x128xf32>
    %add3A_17 = arith.addf %dot_general3A_11, %dot_general3A_16 : vector<2000x128xf32>
    %get3A_18 = arith.constant 0 : index
    %get3A_19 = arith.constant 0 : index
    %get3A_20 = vector.load %arg6[%get3A_18, %get3A_19] : memref<1x128xf32, #tpu.memory_space<vmem>>, vector<1x128xf32>
    %add3A_21 = vector.broadcast %get3A_20 : vector<1x128xf32> to vector<2000x128xf32>
    %add3A_22 = arith.addf %add3A_17, %add3A_21 : vector<2000x128xf32>
    %swap3A = arith.constant 0 : index
    %swap3A_23 = arith.constant 0 : index
    %swap3A_24 = vector.load %arg7[%swap3A, %swap3A_23] : memref<2000x128xf32, #tpu.memory_space<vmem>>, vector<2000x128xf32>
    tpu.vector_store %arg7[%swap3A, %swap3A_23], %add3A_22 {strides = array<i32>} : memref<2000x128xf32, #tpu.memory_space<vmem>>, vector<2000x128xf32>,
    return
  }
  func.func @transform_0(%arg0: i32) -> (i32, i32) {
    %c0_i32 = arith.constant 0 : i32
    %c0_i32_0 = arith.constant 0 : i32
    return %arg0, %c0_i32 : i32, i32
  }
  func.func @transform_1(%arg0: i32) -> (i32, i32) {
    %c0_i32 = arith.constant 0 : i32
    %c0_i32_0 = arith.constant 0 : i32
    return %arg0, %c0_i32 : i32, i32
  }
  func.func @transform_2(%arg0: i32) -> (i32, i32) {
    %add3A = arith.constant 5 : i32
    %add3A_0 = arith.addi %arg0, %add3A : i32
    %c0_i32 = arith.constant 0 : i32
    %c0_i32_1 = arith.constant 0 : i32
    return %add3A_0, %c0_i32 : i32, i32
  }
  func.func @transform_3(%arg0: i32) -> (i32, i32) {
    %c0_i32 = arith.constant 0 : i32
    %c0_i32_0 = arith.constant 0 : i32
    %c0_i32_1 = arith.constant 0 : i32
    return %c0_i32, %c0_i32_0 : i32, i32
  }
  func.func @transform_4(%arg0: i32) -> (i32, i32) {
    %c0_i32 = arith.constant 0 : i32
    %c0_i32_0 = arith.constant 0 : i32
    %c0_i32_1 = arith.constant 0 : i32
    return %c0_i32, %c0_i32_0 : i32, i32
  }
  func.func @transform_5(%arg0: i32) -> (i32, i32) {
    %c0_i32 = arith.constant 0 : i32
    %c0_i32_0 = arith.constant 0 : i32
    %c0_i32_1 = arith.constant 0 : i32
    return %c0_i32, %c0_i32_0 : i32, i32
  }
  func.func @transform_6(%arg0: i32) -> (i32, i32) {
    %c0_i32 = arith.constant 0 : i32
    %c0_i32_0 = arith.constant 0 : i32
    return %arg0, %c0_i32 : i32, i32
  }
}

</mosaic_0001>

<sc_bundles>
// kernel: kernel.6.cloned.1.call-start
scs
__scs_entry_jumppad:
0x0: {  	(pc) =	sbr.rel $0x88, $3  }
0x1: {  	(tag) =	ssettag $0x0;
	lr =	simm.s32 $0x1  }
0x2: {  	[smem:$0x3F97] =	sst lr;
	_ =	strace $0xD0000000  }
0x3: {  	_ = 	snop  }
0x4: {  	_ = 	snop  }
0x5: {  	_ = 	snop  }
0x6: {  	_ = 	snop  }
0x7: {  	_ = 	snop  }
__scs_overlays_trampoline_lowered:
0x8: {  	[smem:$0x3FA6] =	sst s0  }
0x9: {  	[smem:$0x3FA7] =	sst s1  }
0xa: {  	[smem:$0x3FA8] =	sst s2  }
0xb: {  	[smem:$0x3FA9] =	sst s3  }
0xc: {  	[smem:$0x3FAA] =	sst s4  }
0xd: {  	[smem:$0x3FAB] =	sst s5  }
0xe: {  	[smem:$0x3FAC] =	sst s6  }
0xf: {  	[smem:$0x3FAD] =	sst s7  }
0x10: {  	[smem:$0x3FAE] =	sst s8  }
0x11: {  	[smem:$0x3FAF] =	sst s9;
	s0 =	simm.s32 @!p0 $0x0  }
0x12: {  	s1 =	sld [smem:$0x3F95];
	s0 =	simm.s32 @p0 $0x1  }
0x13: {  	[smem:$0x3FB0] =	sst s0;
	s0 =	simm.s32 @!p1 $0x0  }
0x14: {  	s2 =	sld [smem:$0x3F94];
	s0 =	simm.s32 @p1 $0x1  }
0x15: {  	[smem:$0x3FB1] =	sst s0;
	s0 =	simm.s32 @!p2 $0x0  }
0x16: {  	s3 =	sld [smem:$0x3FDB];
	s0 =	simm.s32 @p2 $0x1  }
0x17: {  	s4 =	simm.s32 $0x1BF5;
	[smem:$0x3FB3] =	sst s0  }
0x18: {  	s0 =	sld [smem:$0x3F96];
	_ =	swait.ge [sflag:s4], $0x0  }
0x19: {  	s7 =	sld [smem:$0x3F97]  }
0x1a: {  	s8 =	sadd.s32 $0xFFFFE003, lr  }
0x1b: {  	s9 =	sadd.s32 $0xFFFFFEF7, lr;
	s5 =	simm.s32 $0xFFFFFFFF;
	p2 =	slt.u32 s8, $0xFFFFF086  }
0x1c: {  	p1 =	slt.u32 s9, $0xF7A;
	s5 =	simm.s32 @!p2 $0x0  }
0x1d: {  	s5 =	simm.s32 @p1 $0x1;
	p0 =	seq.s32 s7, s2  }
0x1e: {  	s7 =	smul.u32 @!p0 $0xF7A, s2;
	p2 =	seq.s32 @!p0 s5, $0x0  }
0x1f: {  	s9 =	smul.u32 $0xF7A, s1;
	s8 =	simm.s32 @!p0 $0x1BF5;
	p2 =	por !p2, p0  }
0x20: {  	[sflag:s8] =	ssyncset.s32 @!p0 $0xFFFFF086;
	s6 =	sadd.s32 @!p0 s3, s7;
	s7 =	simm.s32 @!p0 $0x108  }
0x21: {  	s3 =	sadd.s32 s3, s9;
	s6 =	sadd.s32 @!p0 $0x88, s6;
	s7 =	simm.s32 @p2 $0x1082  }
0x22: {  	[simem:s7], [sflag:s8] =	dma.local @!p0 [hbm:s6], $0xF7A  }
0x23: {  	s9 =	sor.u32 $0xD0000000, s2;
	s6 =	simm.s32 $0x108;
	_ =	swait.ge @!p0 [sflag:s8], $0x0  }
0x24: {  	s3 =	sadd.s32 $0x88, s3;
	s6 =	simm.s32 @!p1 $0x1082;
	[sflag:s4] =	ssyncset.s32 $0xFFFFF086  }
0x25: {  	[simem:s6], [sflag:s4] =	dma.local [hbm:s3], $0xF7A  }
0x26: {  	[smem:$0x3F97] =	sst s1;
	(tag) =	ssettag s2;
	_ =	strace s9  }
0x27: {  	s1 =	sld [smem:$0x3FA7]  }
0x28: {  	s2 =	sld [smem:$0x3FA8]  }
0x29: {  	s4 =	sld [smem:$0x3FAA]  }
0x2a: {  	p0 =	seq.s32 s5, $0x0;
	s5 =	sld [smem:$0x3FAB]  }
0x2b: {  	s6 =	sld [smem:$0x3FAC]  }
0x2c: {  	s7 =	sld [smem:$0x3FAD]  }
0x2d: {  	s3 =	simm.s32 $0x108;
	s8 =	sld [smem:$0x3FAE]  }
0x2e: {  	s3 =	simm.s32 @!p0 $0x1082;
	s9 =	sld [smem:$0x3FAF]  }
0x2f: {  	lr =	sadd.s32 s0, s3;
	s0 =	sld [smem:$0x3FA6]  }
0x30: {  	s3 =	sld [smem:$0x3FA9]  }
0x31: {  	[smem:$0x3FB2] =	sst s10  }
0x32: {  	s10 =	sld [smem:$0x3FB0];
	_ =	sdelay $0x3  }
0x33: {  	p0 =	seq.s32 s10, $0x1;
	s10 =	sld [smem:$0x3FB2];
	_ =	sdelay $0x3  }
0x34: {  	[smem:$0x3FB2] =	sst s10  }
0x35: {  	s10 =	sld [smem:$0x3FB1];
	_ =	sdelay $0x3  }
0x36: {  	p1 =	seq.s32 s10, $0x1;
	s10 =	sld [smem:$0x3FB2];
	_ =	sdelay $0x3  }
0x37: {  	[smem:$0x3FB2] =	sst s10  }
0x38: {  	s10 =	sld [smem:$0x3FB3]  }
0x39: {  	_ = 	snop;
	(pc) =	sbr.ind lr, $3  }
0x3a: {  	_ = 	snop  }
0x3b: {  	_ = 	snop  }
0x3c: {  	p2 =	seq.s32 s10, $0x1;
	s10 =	sld [smem:$0x3FB2]  }
0x3d: {  	_ =	shalt  }
0x3e: {  	_ =	shalt  }
0x3f: {  	_ =	shalt  }
0x40: {  	_ =	shalt  }
0x41: {  	_ =	shalt  }
0x42: {  	_ =	shalt  }
0x43: {  	_ =	shalt  }
0x44: {  	_ =	shalt  }
0x45: {  	_ =	shalt  }
0x46: {  	_ =	shalt  }
0x47: {  	_ =	shalt  }
0x48: {  	_ =	shalt  }
0x49: {  	_ =	shalt  }
0x4a: {  	_ =	shalt  }
0x4b: {  	_ =	shalt  }
0x4c: {  	_ =	shalt  }
0x4d: {  	_ =	shalt  }
0x4e: {  	_ =	shalt  }
0x4f: {  	_ =	shalt  }
0x50: {  	_ =	shalt  }
0x51: {  	_ =	shalt  }
0x52: {  	_ =	shalt  }
0x53: {  	_ =	shalt  }
0x54: {  	_ =	shalt  }
0x55: {  	_ =	shalt  }
0x56: {  	_ =	shalt  }
0x57: {  	_ =	shalt  }
0x58: {  	_ =	shalt  }
0x59: {  	_ =	shalt  }
0x5a: {  	_ =	shalt  }
0x5b: {  	_ =	shalt  }
0x5c: {  	_ =	shalt  }
0x5d: {  	_ =	shalt  }
0x5e: {  	_ =	shalt  }
0x5f: {  	_ =	shalt  }
0x60: {  	_ =	shalt  }
0x61: {  	_ =	shalt  }
0x62: {  	_ =	shalt  }
0x63: {  	_ =	shalt  }
0x64: {  	_ =	shalt  }
0x65: {  	_ =	shalt  }
0x66: {  	_ =	shalt  }
0x67: {  	_ =	shalt  }
0x68: {  	_ =	shalt  }
0x69: {  	_ =	shalt  }
0x6a: {  	_ =	shalt  }
0x6b: {  	_ =	shalt  }
0x6c: {  	_ =	shalt  }
0x6d: {  	_ =	shalt  }
0x6e: {  	_ =	shalt  }
0x6f: {  	_ =	shalt  }
0x70: {  	_ =	shalt  }
0x71: {  	_ =	shalt  }
0x72: {  	_ =	shalt  }
0x73: {  	_ =	shalt  }
0x74: {  	_ =	shalt  }
0x75: {  	_ =	shalt  }
0x76: {  	_ =	shalt  }
0x77: {  	_ =	shalt  }
0x78: {  	_ =	shalt  }
0x79: {  	_ =	shalt  }
0x7a: {  	_ =	shalt  }
0x7b: {  	_ =	shalt  }
0x7c: {  	_ =	shalt  }
0x7d: {  	_ =	shalt  }
0x7e: {  	_ =	shalt  }
0x7f: {  	_ =	shalt  }
0x80: {  	_ =	shalt  }
0x81: {  	_ =	shalt  }
0x82: {  	_ =	shalt  }
0x83: {  	_ =	shalt  }
0x84: {  	_ =	shalt  }
0x85: {  	_ =	shalt  }
0x86: {  	_ =	shalt  }
0x87: {  	_ =	shalt  }
.Lfunc_end0:
.L_simem_size_0:
called_computation_lowered:
.L_overlay_start_0:
0x88: {  	s2 =	sld [smem:$0x3FD9]  }
0x89: {  	s3 =	sld [smem:$0x3FFE];
	_ =	sdelay $0x1  }
0x8a: {  	s1 =	srdreg.scid  }
0x8b: {  	s0 =	sand.u32 $0x1, s1  }
0x8c: {  	s17 =	sshll.u32 s0, $0xA;
	s2 =	sadd.s32 s3, s2  }
0x8d: {  	s2 =	sadd.s32 s2, s17  }
0x8e: {  	[smem:$0x3FBE] =	sst s2  }
0x8f: {  	_ = 	snop  }
0x90: {  	s2 =	sld [smem:$0x3FC8]  }
0x91: {  	s18 =	sld [smem:$0x3FC7]  }
0x92: {  	s4 =	sld [smem:$0x3FC5]  }
0x93: {  	s5 =	sld [smem:$0x3FD0];
	(tm) =	ssettm $0x1  }
0x94: {  	s6 =	sld [smem:$0x3FFB];
	_ =	sdelay $0x3  }
0x95: {  	_ =	strace s6  }
0x96: {  	s6 =	sld [smem:$0x3FFC];
	_ =	sdelay $0x3  }
0x97: {  	_ =	strace s6  }
0x98: {  	s6 =	sld [smem:$0x3FFD];
	_ =	sdelay $0x3  }
0x99: {  	_ =	strace s6  }
0x9a: {  	_ =	strace $0x8FFFFFFF  }
0x9b: {  	s19 =	sld [smem:$0x3FDB];
	_ =	sdelay $0x1  }
0x9c: {  	s7 =	simm.s32 $_scs_section_size  }
0x9d: {  	s8 =	simm.s32 $_size__tile_overlayer_lowered;
	s9 =	simm.s32 $_tile_overlayer_lowered  }
0x9e: {  	s22 =	simm.s32 $0x1BFF;
	s21 =	sshll.u32 s9, $0x1;
	s6 =	sadd.s32 s7, s19  }
0x9f: {  	s10 =	simm.s32 $0x0;
	s20 =	sshll.u32 s8, $0x1;
	s8 =	sadd.s32 s21, s6  }
0xa0: {  	[timem:s10], [sflag:s22] =	dma.local [hbm:s8], s20  }
0xa1: {  	_ =	swait.ge [sflag:s22], s20  }
0xa2: {  	s7 =	ssub.s32 $0x0, s20;
	[sflag:s22] =	ssyncset.done $0x0  }
0xa3: {  	[sflag:s22] =	ssyncadd.s32 s7;
	_ =	sdelay $0x1  }
0xa4: {  	s23 =	simm.s32 $0x1B8B  }
0xa5: {  	_ =	swait.ge [sflag:s23], $0x1  }
0xa6: {  	[sflag:s23] =	ssyncset.done $0x0  }
0xa7: {  	s25 =	simm.s32 $0x1B8E;
	s24 =	sld [smem:$0x3FFE];
	[sflag:s23] =	ssyncadd.s32 $0xFFFFFFFF  }
0xa8: {  	s26 =	simm.s32 $execute0_lowered;
	[smem:$0x3FD2] =	sst s25  }
0xa9: {  	s8 =	sshll.u32 s26, $0x1;
	_ =	strace $0x80000046;
	[dreg:$0x1] =	wrdreg $0xFFFFFFFF  }
0xaa: {  	s28 =	simm.s32 $_size_execute0_lowered;
	s6 =	sadd.s32 s6, s8;
	[dreg:$0x0] =	wrdreg $0x0  }
0xab: {  	s8 =	sshll.u32 s28, $0x1;
	[dreg:$0x2] =	wrdreg s6  }
0xac: {  	[dreg:$0x3] =	wrdreg s8  }
0xad: {  	[dreg:$0x4] =	wrdreg $0xC0  }
0xae: {  	_ =	task [dreg:s10], $0x5FFFF  }
0xaf: {  	[dreg:$0x1] =	wrdreg $0xFFFFFFFF  }
0xb0: {  	[dreg:$0x0] =	wrdreg $0x60  }
0xb1: {  	[dreg:$0x2] =	wrdreg s2  }
0xb2: {  	[dreg:$0x3] =	wrdreg s18  }
0xb3: {  	[dreg:$0x4] =	wrdreg s4  }
0xb4: {  	[dreg:$0x5] =	wrdreg s5  }
0xb5: {  	[dreg:$0x6] =	wrdreg s24  }
0xb6: {  	[dreg:$0x7] =	wrdreg $0x9  }
0xb7: {  	_ =	task.clear_ibuf [dreg:s10], $0x8FFFF;
	_ =	strace $0x90000046  }
0xb8: {  	s29 =	simm.s32 $0x9;
	_ =	strace $0x80000048  }
0xb9: {  	_ =	swait.ge [sflag:s29], $0x1  }
0xba: {  	[sflag:s29] =	ssyncadd.s32 $0xFFFFFFFF  }
0xbb: {  	_ =	strace $0x90000048  }
0xbc: {  	_ =	sfence  }
0xbd: {  	s30 =	sld [smem:$0x0];
	_ =	sdelay $0x2  }
0xbe: {  	s31 =	sshll.u32 s1, $0xD;
	s1 =	sshrl.u32 s1, $0x2  }
0xbf: {  	s3 =	sand.u32 $0x4000, s31;
	s1 =	sadd.s32 s1, s30  }
0xc0: {  	s0 =	sor.u32 s3, s0;
	s1 =	sshll.u32 s1, $0x11  }
0xc1: {  	s0 =	sor.u32 s1, s0  }
0xc2: {  	s0 =	sadd.s32 $0x8F2B, s0  }
0xc3: {  	[sflag:s0] =	ssyncadd.remote.s32 $0x1  }
0xc4: {  	_ =	sfence.sel $0xFFFF  }
0xc5: {  	[dreg:$0x0] =	wrdreg $0xFFFFFFFF;
	(pc) =	sbr.abs _section_cstart, $3  }
0xc6: {  	[dreg:$0x1] =	wrdreg $0xFFFFFFFF  }
0xc7: {  	_ =	task.clear_ibuf [dreg:s10], $0x2FFFF;
	_ =	strace $0x9FFFFFFF  }
0xc8: {  	(tm) =	ssettm $0x7FFFFFFF  }
0xc9: {  	_ =	shalt  }
tec
execute0_lowered:
.L_overlay_start_1:
0x0: {  	(tag) =	ssettag $0x1  }
0x1: {  	s0 =	rddreg [dreg:$0x0]  }
0x2: {  	s8 =	rddreg [dreg:$0x1]  }
0x3: {  	s10 =	rddreg [dreg:$0x2]  }
0x4: {  	s9 =	rddreg [dreg:$0x3]  }
0x5: {  	s2 =	srdreg.scid;
	s1 =	stileid.u32  }
0x6: {  	s4 =	rddreg [dreg:$0x4];
	s3 =	simm.s32 $0x0;
	s15 =	simm.s32 $0x7580  }
0x7: {  	s16 =	simm.s32 $0x9C80;
	s5 =	sand.u32 $0x1, s2;
	s6 =	sshll.u32 s1, $0x1  }
0x8: {  	s17 =	simm.s32 $0x0;
	s2 =	rddreg [dreg:$0x5];
	s6 =	sor.u32 s5, s6  }
0x9: {  	[smem:$0x7FF] =	sst s3;
	s12 =	sadd.s32 $0x2000, s4;
	s7 =	smul.u32 $0x4E, s6  }
0xa: {  	p0 =	sgt.u32 s1, $0x1;
	s5 =	ssub.s32 $0x2, s5;
	s6 =	smin.u32 s6, $0x4  }
0xb: {  	_ =	strace $0x80000047;
	s11 =	sshrl.u32 s5, $0x1;
	s29 =	sadd.s32 s6, s7  }
0xc: {  	s13 =	ssub.s32 s5, s11;
	s30 =	sshll.u32 s29, $0x5;
	s7 =	sshll.u32 s29, $0x4  }
0xd: {  	s31 =	sadd.s32 $0x4E, s29;
	s4 =	sadd.s32 s8, s30;
	s5 =	sadd.s32 s9, s7  }
0xe: {  	s14 =	sshll.u32 s31, $0x5;
	s6 =	sadd.s32 s10, s7;
	s11 =	sshll.u32 s31, $0x4  }
0xf: {  	s7 =	sadd.s32 s12, s7;
	s14 =	sand.u32 $0x1FFFFFE0, s14;
	s9 =	sadd.s32 s9, s11  }
0x10: {  	s10 =	sadd.s32 s10, s11;
	s11 =	sadd.s32 s12, s11;
	s12 =	smax.u32 s13, $0x1  }
0x11: {  	s13 =	simm.s32 $0x1;
	s8 =	sadd.s32 s8, s14;
	s14 =	simm.s32 $0x2780  }
.LBB2_1:
0x12: {  	[tilespmem:s3], [sflag:$0x1] =	stream.linear.gather [hbm4b:s0+s3], $0x2780, $0x38;
	[tilespmem:$0xC380] =	vst v63  }
0x13: {  	_ =	swait.ge [sflag:s13], $0x2780  }
0x14: {  	[sflag:s13] =	ssyncset.done $0x0  }
0x15: {  	[sflag:s13] =	ssyncadd.s32 $0xFFFFD880  }
0x16: {  	[tilespmem:s14], [sflag:$0x1] =	stream.linear.gather [hbm4b:s4+s3], $0x4E00, $0x38;
	[tilespmem:$0xC380] =	vst v63  }
0x17: {  	s18 =	sand.u32 $0x1FC00, s3;
	_ =	swait.ge [sflag:s13], $0x4E00  }
0x18: {  	s19 =	sand.u32 $0x70, s3;
	s18 =	sshrl.u32 s18, $0x2;
	[sflag:s13] =	ssyncset.done $0x0  }
0x19: {  	s18 =	sor.u32 s19, s18;
	[sflag:s13] =	ssyncadd.s32 $0xFFFFB200  }
0x1a: {  	v0 =	vld [tilespmem:s18+$0x2780];
	_ =	sdelay $0x7  }
0x1b: {  	v0 =	vld.idx.msk [tilespmem:v0+s3+$0x0], $0xffff;
	_ =	sdelay $0x1  }
0x1c: {  	s20 =	simm.s32 $0x10;
	s19 =	simm.s32 $0x80  }
0x1d: {  	s21 =	simm.s32 $0x20;
	s22 =	sand.u32 $0x1FC00, s19;
	s18 =	simm.s32 $0x7580  }
.LBB2_2:
0x1e: {  	p1 =	sne.s32 s21, $0x26F0;
	s20 =	sand.u32 $0x70, s20;
	s22 =	sshrl.u32 s22, $0x2  }
0x1f: {  	s22 =	sor.u32 s20, s22;
	[tilespmem:s18+$0x0] =	vst v0;
	s20 =	smov.u32 s21  }
0x20: {  	v0 =	vld [tilespmem:s22+$0x2780];
	_ =	sdelay $0x7  }
.Ltmp0:
0x21: {  	v0 =	vld.idx.msk [tilespmem:v0+s3+$0x0], $0xffff;
	(pc) =	sbr.rel @p1 .LBB2_2-.Ltmp0, $3  }
0x22: {  	_ =	sdelay $0x1  }
0x23: {  	s19 =	sadd.s32 $0x80, s19  }
0x24: {  	s21 =	sadd.s32 $0x10, s21;
	s18 =	sadd.s32 $0x10, s18;
	s22 =	sand.u32 $0x1FC00, s19  }
0x25: {  	s19 =	sand.u32 $0x70, s20;
	s30 =	sshrl.u32 s22, $0x2  }
0x26: {  	[tilespmem:s18+$0x0] =	vst v0;
	s19 =	sor.u32 s19, s30  }
0x27: {  	v0 =	vld [tilespmem:s19+$0x2780];
	_ =	sdelay $0x7  }
0x28: {  	v0 =	vld.idx.msk [tilespmem:v0+s3+$0x0], $0xffff;
	_ =	sdelay $0x3  }
0x29: {  	s31 =	sadd.s32 $0x10, s18  }
0x2a: {  	[tilespmem:s31+$0x0] =	vst v0  }
0x2b: {  	[hbm4b:s5+s3] =	stream.linear.scatter [tilespmem:s15], [sflag:$0x1], $0x2700, $0x38;
	[tilespmem:$0xC380] =	vst v63  }
0x2c: {  	_ =	swait.ge [sflag:s13], $0x2700  }
0x2d: {  	[sflag:s13] =	ssyncset.done $0x0  }
0x2e: {  	[sflag:s13] =	ssyncadd.s32 $0xFFFFD900  }
0x2f: {  	[tilespmem:s16], [sflag:$0x1] =	stream.linear.gather [hbm4b:s6+s3], $0x2700, $0x38;
	[tilespmem:$0xC380] =	vst v63  }
0x30: {  	_ =	swait.ge [sflag:s13], $0x2700  }
0x31: {  	[sflag:s13] =	ssyncset.done $0x0  }
0x32: {  	[sflag:s13] =	ssyncadd.s32 $0xFFFFD900  }
0x33: {  	[hbm4b:s7+s3] =	stream.linear.scatter [tilespmem:s16], [sflag:$0x1], $0x2700, $0x38;
	[tilespmem:$0xC380] =	vst v63  }
0x34: {  	_ =	swait.ge [sflag:s13], $0x2700  }
0x35: {  	[sflag:s13] =	ssyncset.done $0x0  }
0x36: {  	s18 =	simm.s32 @!p0 $0x0;
	s19 =	simm.s32 @!p0 $0x2780;
	[sflag:s13] =	ssyncadd.s32 $0xFFFFD900  }
0x37: {  	[tilespmem:s19], [sflag:$0x1] =	stream.linear.gather @!p0 [hbm4b:s8+s18], $0x100, $0x38;
	[tilespmem:$0xC380] =	vst v63  }
0x38: {  	s19 =	simm.s32 @!p0 $0x1  }
0x39: {  	_ =	swait.ge @!p0 [sflag:s19], $0x100  }
0x3a: {  	[sflag:s19] =	ssyncset.done @!p0 $0x0  }
0x3b: {  	[sflag:s19] =	ssyncadd.s32 @!p0 $0xFFFFFF00  }
0x3c: {  	v0 =	vld @!p0 [tilespmem:$0x2780];
	_ =	sdelay $0x5  }
0x3d: {  	v1 =	vld @!p0 [tilespmem:$0x2790];
	_ =	sdelay $0x1  }
0x3e: {  	v0 =	vld.idx.msk @!p0 [tilespmem:v0+s18+$0x0], $0xffff;
	_ =	sdelay $0x3  }
0x3f: {  	v2 =	vld @!p0 [tilespmem:$0x27A0]  }
0x40: {  	[tilespmem:$0x7580] =	vst @!p0 v0  }
0x41: {  	v0 =	vld.idx.msk @!p0 [tilespmem:v1+s18+$0x0], $0xffff;
	_ =	sdelay $0x3  }
0x42: {  	v1 =	vld @!p0 [tilespmem:$0x27B0]  }
0x43: {  	[tilespmem:$0x7590] =	vst @!p0 v0  }
0x44: {  	v0 =	vld.idx.msk @!p0 [tilespmem:v2+s18+$0x0], $0xffff;
	_ =	sdelay $0x3  }
0x45: {  	v2 =	vld @!p0 [tilespmem:$0x27C0]  }
0x46: {  	[tilespmem:$0x75A0] =	vst @!p0 v0  }
0x47: {  	v0 =	vld.idx.msk @!p0 [tilespmem:v1+s18+$0x0], $0xffff;
	_ =	sdelay $0x3  }
0x48: {  	v1 =	vld @!p0 [tilespmem:$0x27D0]  }
0x49: {  	[tilespmem:$0x75B0] =	vst @!p0 v0  }
0x4a: {  	v0 =	vld.idx.msk @!p0 [tilespmem:v2+s18+$0x0], $0xffff;
	_ =	sdelay $0x3  }
0x4b: {  	v2 =	vld @!p0 [tilespmem:$0x27E0]  }
0x4c: {  	[tilespmem:$0x75C0] =	vst @!p0 v0  }
0x4d: {  	v0 =	vld.idx.msk @!p0 [tilespmem:v1+s18+$0x0], $0xffff;
	_ =	sdelay $0x3  }
0x4e: {  	v1 =	vld @!p0 [tilespmem:$0x27F0]  }
0x4f: {  	[tilespmem:$0x75D0] =	vst @!p0 v0  }
0x50: {  	v0 =	vld.idx.msk @!p0 [tilespmem:v2+s18+$0x0], $0xffff;
	_ =	sdelay $0x4  }
0x51: {  	[tilespmem:$0x75E0] =	vst @!p0 v0  }
0x52: {  	v0 =	vld.idx.msk @!p0 [tilespmem:v1+s18+$0x0], $0xffff;
	_ =	sdelay $0x4  }
0x53: {  	s20 =	simm.s32 @!p0 $0x7580;
	[tilespmem:$0x75F0] =	vst @!p0 v0  }
0x54: {  	[hbm4b:s9+s18] =	stream.linear.scatter @!p0 [tilespmem:s20], [sflag:$0x1], $0x80, $0x38;
	[tilespmem:$0xC380] =	vst v63  }
0x55: {  	_ =	swait.ge @!p0 [sflag:s19], $0x80  }
0x56: {  	[sflag:s19] =	ssyncset.done @!p0 $0x0  }
0x57: {  	s20 =	simm.s32 @!p0 $0x9C80;
	[sflag:s19] =	ssyncadd.s32 @!p0 $0xFFFFFF80  }
0x58: {  	[tilespmem:s20], [sflag:$0x1] =	stream.linear.gather @!p0 [hbm4b:s10+s18], $0x80, $0x38;
	[tilespmem:$0xC380] =	vst v63  }
0x59: {  	s17 =	sadd.s32 $0x1, s17;
	_ =	swait.ge @!p0 [sflag:s19], $0x80  }
0x5a: {  	p1 =	sne.s32 s17, s12;
	[sflag:s19] =	ssyncset.done @!p0 $0x0  }
.Ltmp1:
0x5b: {  	[sflag:s19] =	ssyncadd.s32 @!p0 $0xFFFFFF80;
	(pc) =	sbr.rel @p1 .LBB2_1-.Ltmp1, $4  }
0x5c: {  	[hbm4b:s11+s18] =	stream.linear.scatter @!p0 [tilespmem:s20], [sflag:$0x1], $0x80, $0x38;
	[tilespmem:$0xC380] =	vst v63  }
0x5d: {  	_ =	swait.ge @!p0 [sflag:s19], $0x80  }
0x5e: {  	[sflag:s19] =	ssyncset.done @!p0 $0x0  }
0x5f: {  	[sflag:s19] =	ssyncadd.s32 @!p0 $0xFFFFFF80  }
0x60: {  	_ =	sfence.sel $0x180000  }
0x61: {  	[bflag:$0x0] =	sbarrier.arrive $0xFFFF  }
0x62: {  	p0 =	sne.s32 s1, $0x0;
	_ =	strace $0x90000047  }
0x63: {  	s0 =	sadd.s32 @!p0 $0x100000, s2;
	[bflag:$0x2] =	sbarrier.arrive $0xFFFF  }
0x64: {  	[sflag:s0] =	ssyncadd.tile.s32 @!p0 $0x1;
	_ =	shalt  }
.Lfunc_end2:
_tile_overlayer_lowered:
.L_overlay_start_2:
0x65: {  	(tag) =	ssettag $0x2  }
0x66: {  	s0 =	rddreg [dreg:$0x0];
	s2 =	stileid.u32  }
0x67: {  	s1 =	rddreg [dreg:$0x1];
	p0 =	sne.s32 s2, $0x0  }
0x68: {  	s3 =	rddreg [dreg:$0x2];
	[bflag:$0x3] =	sbarrier.arrive $0xFFFF;
	s2 =	simm.s32 @!p0 $0x1C01  }
0x69: {  	[timem:s3], [sflag:s2] =	dma.local @!p0 [hbm:s0], s1  }
0x6a: {  	s0 =	simm.s32 @!p0 $0x1  }
0x6b: {  	_ =	swait.ge @!p0 [sflag:s0], s1  }
0x6c: {  	s1 =	ssub.s32 @!p0 $0x0, s1;
	[sflag:s0] =	ssyncset.done @!p0 $0x0  }
0x6d: {  	[sflag:s0] =	ssyncadd.s32 @!p0 s1  }
0x6e: {  	[bflag:$0x3] =	sbarrier.arrive $0xFFFF  }
0x6f: {  	_ =	shalt  }

// kernel: kernel.9.cloned.1.call-start
scs
__scs_entry_jumppad:
0x0: {  	(pc) =	sbr.rel $0x88, $3  }
0x1: {  	(tag) =	ssettag $0x0;
	lr =	simm.s32 $0x1  }
0x2: {  	[smem:$0x3F97] =	sst lr;
	_ =	strace $0xD0000000  }
0x3: {  	_ = 	snop  }
0x4: {  	_ = 	snop  }
0x5: {  	_ = 	snop  }
0x6: {  	_ = 	snop  }
0x7: {  	_ = 	snop  }
__scs_overlays_trampoline_lowered:
0x8: {  	[smem:$0x3FA6] =	sst s0  }
0x9: {  	[smem:$0x3FA7] =	sst s1  }
0xa: {  	[smem:$0x3FA8] =	sst s2  }
0xb: {  	[smem:$0x3FA9] =	sst s3  }
0xc: {  	[smem:$0x3FAA] =	sst s4  }
0xd: {  	[smem:$0x3FAB] =	sst s5  }
0xe: {  	[smem:$0x3FAC] =	sst s6  }
0xf: {  	[smem:$0x3FAD] =	sst s7  }
0x10: {  	[smem:$0x3FAE] =	sst s8  }
0x11: {  	[smem:$0x3FAF] =	sst s9;
	s0 =	simm.s32 @!p0 $0x0  }
0x12: {  	s1 =	sld [smem:$0x3F95];
	s0 =	simm.s32 @p0 $0x1  }
0x13: {  	[smem:$0x3FB0] =	sst s0;
	s0 =	simm.s32 @!p1 $0x0  }
0x14: {  	s2 =	sld [smem:$0x3F94];
	s0 =	simm.s32 @p1 $0x1  }
0x15: {  	[smem:$0x3FB1] =	sst s0;
	s0 =	simm.s32 @!p2 $0x0  }
0x16: {  	s3 =	sld [smem:$0x3FDB];
	s0 =	simm.s32 @p2 $0x1  }
0x17: {  	s4 =	simm.s32 $0x1BF5;
	[smem:$0x3FB3] =	sst s0  }
0x18: {  	s0 =	sld [smem:$0x3F96];
	_ =	swait.ge [sflag:s4], $0x0  }
0x19: {  	s7 =	sld [smem:$0x3F97]  }
0x1a: {  	s8 =	sadd.s32 $0xFFFFE003, lr  }
0x1b: {  	s9 =	sadd.s32 $0xFFFFFEF7, lr;
	s5 =	simm.s32 $0xFFFFFFFF;
	p2 =	slt.u32 s8, $0xFFFFF086  }
0x1c: {  	p1 =	slt.u32 s9, $0xF7A;
	s5 =	simm.s32 @!p2 $0x0  }
0x1d: {  	s5 =	simm.s32 @p1 $0x1;
	p0 =	seq.s32 s7, s2  }
0x1e: {  	s7 =	smul.u32 @!p0 $0xF7A, s2;
	p2 =	seq.s32 @!p0 s5, $0x0  }
0x1f: {  	s9 =	smul.u32 $0xF7A, s1;
	s8 =	simm.s32 @!p0 $0x1BF5;
	p2 =	por !p2, p0  }
0x20: {  	[sflag:s8] =	ssyncset.s32 @!p0 $0xFFFFF086;
	s6 =	sadd.s32 @!p0 s3, s7;
	s7 =	simm.s32 @!p0 $0x108  }
0x21: {  	s3 =	sadd.s32 s3, s9;
	s6 =	sadd.s32 @!p0 $0x88, s6;
	s7 =	simm.s32 @p2 $0x1082  }
0x22: {  	[simem:s7], [sflag:s8] =	dma.local @!p0 [hbm:s6], $0xF7A  }
0x23: {  	s9 =	sor.u32 $0xD0000000, s2;
	s6 =	simm.s32 $0x108;
	_ =	swait.ge @!p0 [sflag:s8], $0x0  }
0x24: {  	s3 =	sadd.s32 $0x88, s3;
	s6 =	simm.s32 @!p1 $0x1082;
	[sflag:s4] =	ssyncset.s32 $0xFFFFF086  }
0x25: {  	[simem:s6], [sflag:s4] =	dma.local [hbm:s3], $0xF7A  }
0x26: {  	[smem:$0x3F97] =	sst s1;
	(tag) =	ssettag s2;
	_ =	strace s9  }
0x27: {  	s1 =	sld [smem:$0x3FA7]  }
0x28: {  	s2 =	sld [smem:$0x3FA8]  }
0x29: {  	s4 =	sld [smem:$0x3FAA]  }
0x2a: {  	p0 =	seq.s32 s5, $0x0;
	s5 =	sld [smem:$0x3FAB]  }
0x2b: {  	s6 =	sld [smem:$0x3FAC]  }
0x2c: {  	s7 =	sld [smem:$0x3FAD]  }
0x2d: {  	s3 =	simm.s32 $0x108;
	s8 =	sld [smem:$0x3FAE]  }
0x2e: {  	s3 =	simm.s32 @!p0 $0x1082;
	s9 =	sld [smem:$0x3FAF]  }
0x2f: {  	lr =	sadd.s32 s0, s3;
	s0 =	sld [smem:$0x3FA6]  }
0x30: {  	s3 =	sld [smem:$0x3FA9]  }
0x31: {  	[smem:$0x3FB2] =	sst s10  }
0x32: {  	s10 =	sld [smem:$0x3FB0];
	_ =	sdelay $0x3  }
0x33: {  	p0 =	seq.s32 s10, $0x1;
	s10 =	sld [smem:$0x3FB2];
	_ =	sdelay $0x3  }
0x34: {  	[smem:$0x3FB2] =	sst s10  }
0x35: {  	s10 =	sld [smem:$0x3FB1];
	_ =	sdelay $0x3  }
0x36: {  	p1 =	seq.s32 s10, $0x1;
	s10 =	sld [smem:$0x3FB2];
	_ =	sdelay $0x3  }
0x37: {  	[smem:$0x3FB2] =	sst s10  }
0x38: {  	s10 =	sld [smem:$0x3FB3]  }
0x39: {  	_ = 	snop;
	(pc) =	sbr.ind lr, $3  }
0x3a: {  	_ = 	snop  }
0x3b: {  	_ = 	snop  }
0x3c: {  	p2 =	seq.s32 s10, $0x1;
	s10 =	sld [smem:$0x3FB2]  }
0x3d: {  	_ =	shalt  }
0x3e: {  	_ =	shalt  }
0x3f: {  	_ =	shalt  }
0x40: {  	_ =	shalt  }
0x41: {  	_ =	shalt  }
0x42: {  	_ =	shalt  }
0x43: {  	_ =	shalt  }
0x44: {  	_ =	shalt  }
0x45: {  	_ =	shalt  }
0x46: {  	_ =	shalt  }
0x47: {  	_ =	shalt  }
0x48: {  	_ =	shalt  }
0x49: {  	_ =	shalt  }
0x4a: {  	_ =	shalt  }
0x4b: {  	_ =	shalt  }
0x4c: {  	_ =	shalt  }
0x4d: {  	_ =	shalt  }
0x4e: {  	_ =	shalt  }
0x4f: {  	_ =	shalt  }
0x50: {  	_ =	shalt  }
0x51: {  	_ =	shalt  }
0x52: {  	_ =	shalt  }
0x53: {  	_ =	shalt  }
0x54: {  	_ =	shalt  }
0x55: {  	_ =	shalt  }
0x56: {  	_ =	shalt  }
0x57: {  	_ =	shalt  }
0x58: {  	_ =	shalt  }
0x59: {  	_ =	shalt  }
0x5a: {  	_ =	shalt  }
0x5b: {  	_ =	shalt  }
0x5c: {  	_ =	shalt  }
0x5d: {  	_ =	shalt  }
0x5e: {  	_ =	shalt  }
0x5f: {  	_ =	shalt  }
0x60: {  	_ =	shalt  }
0x61: {  	_ =	shalt  }
0x62: {  	_ =	shalt  }
0x63: {  	_ =	shalt  }
0x64: {  	_ =	shalt  }
0x65: {  	_ =	shalt  }
0x66: {  	_ =	shalt  }
0x67: {  	_ =	shalt  }
0x68: {  	_ =	shalt  }
0x69: {  	_ =	shalt  }
0x6a: {  	_ =	shalt  }
0x6b: {  	_ =	shalt  }
0x6c: {  	_ =	shalt  }
0x6d: {  	_ =	shalt  }
0x6e: {  	_ =	shalt  }
0x6f: {  	_ =	shalt  }
0x70: {  	_ =	shalt  }
0x71: {  	_ =	shalt  }
0x72: {  	_ =	shalt  }
0x73: {  	_ =	shalt  }
0x74: {  	_ =	shalt  }
0x75: {  	_ =	shalt  }
0x76: {  	_ =	shalt  }
0x77: {  	_ =	shalt  }
0x78: {  	_ =	shalt  }
0x79: {  	_ =	shalt  }
0x7a: {  	_ =	shalt  }
0x7b: {  	_ =	shalt  }
0x7c: {  	_ =	shalt  }
0x7d: {  	_ =	shalt  }
0x7e: {  	_ =	shalt  }
0x7f: {  	_ =	shalt  }
0x80: {  	_ =	shalt  }
0x81: {  	_ =	shalt  }
0x82: {  	_ =	shalt  }
0x83: {  	_ =	shalt  }
0x84: {  	_ =	shalt  }
0x85: {  	_ =	shalt  }
0x86: {  	_ =	shalt  }
0x87: {  	_ =	shalt  }
.Lfunc_end0:
.L_simem_size_0:
called_computation.1_lowered:
.L_overlay_start_0:
0x88: {  	s2 =	sld [smem:$0x3FD9]  }
0x89: {  	s3 =	sld [smem:$0x3FFE];
	_ =	sdelay $0x1  }
0x8a: {  	s1 =	srdreg.scid  }
0x8b: {  	s0 =	sand.u32 $0x1, s1  }
0x8c: {  	s17 =	sshll.u32 s0, $0xA;
	s2 =	sadd.s32 s3, s2  }
0x8d: {  	s2 =	sadd.s32 s2, s17  }
0x8e: {  	[smem:$0x3FBE] =	sst s2  }
0x8f: {  	_ = 	snop  }
0x90: {  	s2 =	sld [smem:$0x3FC7];
	(tm) =	ssettm $0x1  }
0x91: {  	s18 =	sld [smem:$0x3FFB];
	_ =	sdelay $0x3  }
0x92: {  	_ =	strace s18  }
0x93: {  	s3 =	sld [smem:$0x3FFC];
	_ =	sdelay $0x3  }
0x94: {  	_ =	strace s3  }
0x95: {  	s3 =	sld [smem:$0x3FFD];
	_ =	sdelay $0x3  }
0x96: {  	_ =	strace s3  }
0x97: {  	_ =	strace $0x8FFFFFFF  }
0x98: {  	s19 =	sld [smem:$0x3FDB];
	_ =	sdelay $0x1  }
0x99: {  	s4 =	simm.s32 $_scs_section_size  }
0x9a: {  	s5 =	simm.s32 $_size__tile_overlayer_lowered;
	s6 =	simm.s32 $_tile_overlayer_lowered  }
0x9b: {  	s22 =	simm.s32 $0x1BFF;
	s21 =	sshll.u32 s6, $0x1;
	s3 =	sadd.s32 s4, s19  }
0x9c: {  	s7 =	simm.s32 $0x0;
	s20 =	sshll.u32 s5, $0x1;
	s5 =	sadd.s32 s21, s3  }
0x9d: {  	[timem:s7], [sflag:s22] =	dma.local [hbm:s5], s20  }
0x9e: {  	_ =	swait.ge [sflag:s22], s20  }
0x9f: {  	s4 =	ssub.s32 $0x0, s20;
	[sflag:s22] =	ssyncset.done $0x0  }
0xa0: {  	[sflag:s22] =	ssyncadd.s32 s4;
	_ =	sdelay $0x1  }
0xa1: {  	s23 =	simm.s32 $0x1B8B  }
0xa2: {  	_ =	swait.ge [sflag:s23], $0x1  }
0xa3: {  	[sflag:s23] =	ssyncset.done $0x0  }
0xa4: {  	s25 =	simm.s32 $0x1B8E;
	s24 =	sld [smem:$0x3FFE];
	[sflag:s23] =	ssyncadd.s32 $0xFFFFFFFF  }
0xa5: {  	s26 =	simm.s32 $execute0_lowered;
	[smem:$0x3FD2] =	sst s25  }
0xa6: {  	s5 =	sshll.u32 s26, $0x1;
	_ =	strace $0x80000049;
	[dreg:$0x1] =	wrdreg $0xFFFFFFFF  }
0xa7: {  	s28 =	simm.s32 $_size_execute0_lowered;
	s3 =	sadd.s32 s3, s5;
	[dreg:$0x0] =	wrdreg $0x0  }
0xa8: {  	s5 =	sshll.u32 s28, $0x1;
	[dreg:$0x2] =	wrdreg s3  }
0xa9: {  	[dreg:$0x3] =	wrdreg s5  }
0xaa: {  	[dreg:$0x4] =	wrdreg $0xC0  }
0xab: {  	_ =	task [dreg:s7], $0x5FFFF  }
0xac: {  	[dreg:$0x1] =	wrdreg $0xFFFFFFFF  }
0xad: {  	[dreg:$0x0] =	wrdreg $0x60  }
0xae: {  	[dreg:$0x2] =	wrdreg s24  }
0xaf: {  	[dreg:$0x3] =	wrdreg s2  }
0xb0: {  	[dreg:$0x4] =	wrdreg $0x82000  }
0xb1: {  	[dreg:$0x5] =	wrdreg $0x9  }
0xb2: {  	_ =	task.clear_ibuf [dreg:s7], $0x6FFFF;
	_ =	strace $0x90000049  }
0xb3: {  	s29 =	simm.s32 $0x9;
	_ =	strace $0x8000004B  }
0xb4: {  	_ =	swait.ge [sflag:s29], $0x1  }
0xb5: {  	[sflag:s29] =	ssyncadd.s32 $0xFFFFFFFF  }
0xb6: {  	_ =	strace $0x9000004B  }
0xb7: {  	_ =	sfence  }
0xb8: {  	s30 =	sld [smem:$0x0];
	_ =	sdelay $0x2  }
0xb9: {  	s31 =	sshll.u32 s1, $0xD;
	s1 =	sshrl.u32 s1, $0x2  }
0xba: {  	s3 =	sand.u32 $0x4000, s31;
	s1 =	sadd.s32 s1, s30  }
0xbb: {  	s0 =	sor.u32 s3, s0;
	s1 =	sshll.u32 s1, $0x11  }
0xbc: {  	s0 =	sor.u32 s1, s0  }
0xbd: {  	s0 =	sadd.s32 $0x8F2B, s0  }
0xbe: {  	[sflag:s0] =	ssyncadd.remote.s32 $0x1  }
0xbf: {  	_ =	sfence.sel $0xFFFF  }
0xc0: {  	[dreg:$0x0] =	wrdreg $0xFFFFFFFF;
	(pc) =	sbr.abs _section_cstart, $3  }
0xc1: {  	[dreg:$0x1] =	wrdreg $0xFFFFFFFF  }
0xc2: {  	_ =	task.clear_ibuf [dreg:s7], $0x2FFFF;
	_ =	strace $0x9FFFFFFF  }
0xc3: {  	(tm) =	ssettm $0x7FFFFFFF  }
tec
execute0_lowered:
.L_overlay_start_1:
0x0: {  	(tag) =	ssettag $0x1  }
0x1: {  	s3 =	rddreg [dreg:$0x0]  }
0x2: {  	s5 =	rddreg [dreg:$0x1]  }
0x3: {  	s1 =	rddreg [dreg:$0x2]  }
0x4: {  	s2 =	simm.s32 $0x0;
	s4 =	srdreg.scid;
	s26 =	stileid.u32  }
0x5: {  	s28 =	simm.s32 $0x200;
	s29 =	simm.s32 $0x3;
	s30 =	simm.s32 $0x4200  }
0x6: {  	s31 =	simm.s32 $0x100;
	[smem:$0x7FF] =	sst s2;
	s8 =	smul.u32 $0x4E000, s26  }
0x7: {  	s0 =	sadd.s32 $0x2000, s3;
	s6 =	sand.u32 $0x1, s4;
	s10 =	smul.u32 $0x2700, s26  }
0x8: {  	s3 =	sadd.s32 $0x4E4000, s3;
	p0 =	sne.s32 s26, $0x0;
	s20 =	smul.u32 $0x27100, s6  }
0x9: {  	_ =	strace $0x8000004A;
	s4 =	ssub.s32 $0x2, s6;
	s21 =	smul.u32 $0x138800, s6  }
0xa: {  	s7 =	sshll.u32 s6, $0x4;
	s6 =	smul.u32 $0x4E0, s6;
	s9 =	sshrl.u32 s4, $0x1  }
0xb: {  	s7 =	sor.u32 s26, s7;
	s15 =	sshrl.u32 s8, $0x2;
	s9 =	ssub.s32 s4, s9  }
0xc: {  	s16 =	smul.u32 $0x4E, s7;
	s4 =	sadd.s32 s15, s1;
	s11 =	smin.u32 s7, $0x4  }
0xd: {  	s10 =	sadd.s32 s10, s20;
	s23 =	sshrl.u32 s21, $0x3;
	s12 =	sadd.s32 $0x4000, s4  }
0xe: {  	p1 =	sgt.u32 s7, $0x3;
	s17 =	sadd.s32 $0x8000, s4;
	[dreg:$0x4] =	wrdreg s12  }
0xf: {  	s7 =	simm.s32 $0x0;
	s18 =	sadd.s32 $0xC000, s4;
	[dreg:$0x5] =	wrdreg s17  }
0x10: {  	s10 =	sadd.s32 s3, s10;
	s3 =	sadd.s32 s3, s23;
	[dreg:$0x6] =	wrdreg s18  }
0x11: {  	s8 =	sadd.s32 s11, s16;
	s16 =	smul.u32 $0x4E, s26;
	[dreg:$0xa] =	wrdreg s10  }
0x12: {  	s26 =	sadd.s32 $0x138000, s1;
	s19 =	sshll.u32 s8, $0x5;
	s13 =	sshll.u32 s8, $0x7  }
0x13: {  	s25 =	sadd.s32 $0x4D, s8;
	s20 =	sadd.s32 $0x4C, s8;
	s8 =	sshll.u32 s8, $0xB  }
0x14: {  	s12 =	sadd.s32 s5, s19;
	s15 =	sadd.s32 $0x80, s13;
	s17 =	sadd.s32 $0x2700, s13  }
0x15: {  	s6 =	sadd.s32 s16, s6;
	s13 =	sshll.u32 s25, $0x5;
	s23 =	sshll.u32 s25, $0xB  }
0x16: {  	[dreg:$0x7] =	wrdreg s12;
	s14 =	sshrl.u32 s15, $0x2;
	s22 =	sshrl.u32 s17, $0x2  }
0x17: {  	s6 =	sadd.s32 s11, s6;
	s16 =	sand.u32 $0x1FFFFFE0, s13;
	s21 =	sshll.u32 s15, $0x4  }
0x18: {  	s15 =	sadd.s32 s0, s8;
	s14 =	sadd.s32 s5, s14;
	s24 =	sadd.s32 s5, s22  }
0x19: {  	s18 =	sshll.u32 s6, $0x5;
	s12 =	sadd.s32 s5, s16;
	s16 =	sadd.s32 s0, s21  }
0x1a: {  	s22 =	sshll.u32 s17, $0x4;
	s6 =	sshll.u32 s6, $0xB;
	[dreg:$0x8] =	wrdreg s14  }
0x1b: {  	[dreg:$0x9] =	wrdreg s24;
	s14 =	sshll.u32 s20, $0x5;
	s17 =	sadd.s32 s0, s22  }
0x1c: {  	s24 =	sshll.u32 s20, $0xB;
	s13 =	sand.u32 $0x1FFFFFE0, s14;
	s14 =	sadd.s32 $0x10000, s4  }
0x1d: {  	s25 =	sand.u32 $0x1FFFF800, s24;
	s19 =	sadd.s32 s5, s13;
	s5 =	sadd.s32 s18, s5  }
0x1e: {  	s18 =	sadd.s32 $0x27000, s3;
	s3 =	sand.u32 $0x1FFFF800, s23;
	s21 =	sadd.s32 s0, s25  }
0x1f: {  	[dreg:$0xb] =	wrdreg s19;
	s19 =	smax.u32 s9, $0x1;
	s20 =	sadd.s32 s0, s3  }
0x20: {  	s0 =	sadd.s32 s6, s0;
	s22 =	sadd.s32 $0x60, s5;
	s24 =	sadd.s32 $0x40, s5  }
0x21: {  	s3 =	simm.s32 $0x80;
	s5 =	simm.s32 $0x2;
	s6 =	simm.s32 $0x180  }
0x22: {  	v0 =	vimm.f32 $0.0e+00;
	s23 =	sadd.s32 $0x1800, s0;
	s25 =	sadd.s32 $0x1000, s0;
	s0 =	simm.s32 $0x1  }
.LBB2_1:
0x23: {  	s8 =	sand.u32 $0xFE00, s2  }
0x24: {  	s9 =	sand.u32 $0x70, s2;
	s10 =	sshrl.u32 s8, $0x2  }
0x25: {  	s8 =	simm.s32 $0x40;
	s10 =	sor.u32 s9, s10;
	s9 =	simm.s32 $0x0  }
.LBB2_2:
0x26: {  	p2 =	sne.s32 s8, $0xFFC0  }
0x27: {  	[tilespmem:s10+$0x200] =	vst v0;
	s9 =	sadd.s32 $0x10, s9;
	s10 =	smov.u32 s8;
	s8 =	sadd.s32 $0x40, s8  }
.Ltmp0:
0x28: {  	(pc) =	sbr.rel @p2 .LBB2_2-.Ltmp0, $4  }
0x29: {  	_ = 	snop  }
0x2a: {  	s10 =	sand.u32 $0xFE00, s10  }
0x2b: {  	s11 =	sand.u32 $0x70, s9;
	s10 =	sshrl.u32 s10, $0x2  }
0x2c: {  	s10 =	sor.u32 s11, s10  }
0x2d: {  	[tilespmem:s10+$0x200] =	vst v0  }
0x2e: {  	[spmem:s4] =	stream.linear.scatter [tilespmem:s28], [sflag:$0x3], $0x4000, $0x38;
	[tilespmem:$0x1BA80] =	vst v63  }
0x2f: {  	_ =	swait.ge [sflag:s29], $0x4000  }
0x30: {  	[sflag:s29] =	ssyncset.done $0x0  }
0x31: {  	s8 =	rddreg [dreg:$0x4];
	[sflag:s29] =	ssyncadd.s32 $0xFFFFC000  }
0x32: {  	[spmem:s8] =	stream.linear.scatter [tilespmem:s28], [sflag:$0x3], $0x4000, $0x38;
	[tilespmem:$0x1BA80] =	vst v63  }
0x33: {  	_ =	swait.ge [sflag:s29], $0x4000  }
0x34: {  	[sflag:s29] =	ssyncset.done $0x0  }
0x35: {  	s13 =	rddreg [dreg:$0x5];
	[sflag:s29] =	ssyncadd.s32 $0xFFFFC000  }
0x36: {  	[spmem:s13] =	stream.linear.scatter [tilespmem:s28], [sflag:$0x3], $0x4000, $0x38;
	[tilespmem:$0x1BA80] =	vst v63  }
0x37: {  	_ =	swait.ge [sflag:s29], $0x4000  }
0x38: {  	[sflag:s29] =	ssyncset.done $0x0  }
0x39: {  	s9 =	rddreg [dreg:$0x6];
	[sflag:s29] =	ssyncadd.s32 $0xFFFFC000  }
0x3a: {  	[spmem:s9] =	stream.linear.scatter [tilespmem:s28], [sflag:$0x3], $0x4000, $0x38;
	[tilespmem:$0x1BA80] =	vst v63  }
0x3b: {  	_ =	swait.ge [sflag:s29], $0x4000  }
0x3c: {  	[sflag:s29] =	ssyncset.done $0x0  }
0x3d: {  	[sflag:s29] =	ssyncadd.s32 $0xFFFFC000  }
0x3e: {  	[spmem:s14] =	stream.linear.scatter [tilespmem:s28], [sflag:$0x3], $0x3800, $0x38;
	[tilespmem:$0x1BA80] =	vst v63  }
0x3f: {  	_ =	swait.ge [sflag:s29], $0x3800  }
0x40: {  	[sflag:s29] =	ssyncset.done $0x0  }
0x41: {  	s8 =	simm.s32 @!p0 $0x200;
	[sflag:s29] =	ssyncadd.s32 $0xFFFFC800  }
0x42: {  	[spmem:s26] =	stream.linear.scatter @!p0 [tilespmem:s8], [sflag:$0x3], $0x800, $0x38;
	[tilespmem:$0x1BA80] =	vst v63  }
0x43: {  	s8 =	simm.s32 @!p0 $0x3  }
0x44: {  	_ =	swait.ge @!p0 [sflag:s8], $0x800  }
0x45: {  	[sflag:s8] =	ssyncset.done @!p0 $0x0  }
0x46: {  	[sflag:s8] =	ssyncadd.s32 @!p0 $0xFFFFF800  }
0x47: {  	s10 =	simm.s32 $0x0;
	[bflag:$0x0] =	sbarrier.arrive $0xFFFF  }
0x48: {  	[tilespmem:s28], [sflag:$0x1] =	stream.linear.gather [hbm4b:s15+s10], $0x4000, $0x38;
	[tilespmem:$0x1BA80] =	vst v63  }
0x49: {  	s9 =	rddreg [dreg:$0x7]  }
0x4a: {  	[tilespmem:s10], [sflag:$0x1] =	stream.linear.gather [hbm4b:s9+s10], $0x100, $0x38;
	[tilespmem:$0x1BA80] =	vst v63  }
0x4b: {  	_ = 	snop  }
0x4c: {  	[tilespmem:s30], [sflag:$0x2] =	stream.linear.gather [hbm4b:s16+s10], $0x4000, $0x38;
	[tilespmem:$0x1BA80] =	vst v63  }
0x4d: {  	s11 =	rddreg [dreg:$0x8]  }
0x4e: {  	[tilespmem:s31], [sflag:$0x2] =	stream.linear.gather [hbm4b:s11+s10], $0x100, $0x38;
	[tilespmem:$0x1BA80] =	vst v63  }
0x4f: {  	_ =	swait.ge [sflag:s0], $0x4000  }
0x50: {  	[sflag:s0] =	ssyncset.done $0x0  }
0x51: {  	[sflag:s0] =	ssyncadd.s32 $0xFFFFC000  }
0x52: {  	_ =	swait.ge [sflag:s0], $0x100  }
0x53: {  	[sflag:s0] =	ssyncset.done $0x0  }
0x54: {  	[sflag:s0] =	ssyncadd.s32 $0xFFFFFF00  }
0x55: {  	[spmem:s1] =	stream.indirect.scatter.add.f32 [tilespmem:s28], [sflag:$0x3], $0x80, s3, s3, $0xb8;
	[tilespmem:$0x1BA80] =	vst v63  }
0x56: {  	_ =	swait.ge [sflag:s29], $0x4000  }
0x57: {  	[sflag:s29] =	ssyncset.done $0x0  }
0x58: {  	[sflag:s29] =	ssyncadd.s32 $0xFFFFC000  }
0x59: {  	[tilespmem:s28], [sflag:$0x1] =	stream.linear.gather [hbm4b:s25+s2], $0x4000, $0x38;
	[tilespmem:$0x1BA80] =	vst v63  }
0x5a: {  	s13 =	sadd.s32 $0x0, s24  }
0x5b: {  	[tilespmem:s2], [sflag:$0x1] =	stream.linear.gather [hbm4b:s13+s2], $0x100, $0x38;
	[tilespmem:$0x1BA80] =	vst v63  }
0x5c: {  	_ =	swait.ge [sflag:s5], $0x4000  }
0x5d: {  	[sflag:s5] =	ssyncset.done $0x0  }
0x5e: {  	[sflag:s5] =	ssyncadd.s32 $0xFFFFC000  }
0x5f: {  	_ =	swait.ge [sflag:s5], $0x100  }
0x60: {  	[sflag:s5] =	ssyncset.done $0x0  }
0x61: {  	[sflag:s5] =	ssyncadd.s32 $0xFFFFFF00  }
0x62: {  	[spmem:s1] =	stream.indirect.scatter.add.f32 [tilespmem:s30], [sflag:$0x3], $0x80, s6, s3, $0xb8;
	[tilespmem:$0x1BA80] =	vst v63  }
0x63: {  	_ =	swait.ge [sflag:s29], $0x4000  }
0x64: {  	s8 =	simm.s32 $0x40;
	s9 =	sadd.s32 $0x1000, s23;
	[sflag:s29] =	ssyncset.done $0x0  }
0x65: {  	s11 =	sadd.s32 $0x0, s22;
	s10 =	sadd.s32 $0x1000, s25;
	[sflag:s29] =	ssyncadd.s32 $0xFFFFC000  }
0x66: {  	[tilespmem:s30], [sflag:$0x2] =	stream.linear.gather [hbm4b:s23+s2], $0x4000, $0x38;
	[tilespmem:$0x1BA80] =	vst v63  }
.LBB2_4:
0x67: {  	[tilespmem:s31], [sflag:$0x2] =	stream.linear.gather [hbm4b:s11+s2], $0x100, $0x38;
	[tilespmem:$0x1BA80] =	vst v63  }
0x68: {  	s11 =	smov.u32 s8  }
0x69: {  	p2 =	sne.s32 s8, $0x900;
	s8 =	sadd.s32 $0x40, s8;
	_ =	swait.ge [sflag:s0], $0x4000  }
0x6a: {  	[sflag:s0] =	ssyncset.done $0x0  }
0x6b: {  	[sflag:s0] =	ssyncadd.s32 $0xFFFFC000  }
0x6c: {  	_ =	swait.ge [sflag:s0], $0x100  }
0x6d: {  	[sflag:s0] =	ssyncset.done $0x0  }
0x6e: {  	[sflag:s0] =	ssyncadd.s32 $0xFFFFFF00  }
0x6f: {  	[spmem:s1] =	stream.indirect.scatter.add.f32 [tilespmem:s28], [sflag:$0x3], $0x80, s3, s3, $0xb8;
	[tilespmem:$0x1BA80] =	vst v63  }
0x70: {  	_ =	swait.ge [sflag:s29], $0x4000  }
0x71: {  	[sflag:s29] =	ssyncset.done $0x0  }
0x72: {  	[sflag:s29] =	ssyncadd.s32 $0xFFFFC000  }
0x73: {  	[tilespmem:s28], [sflag:$0x1] =	stream.linear.gather [hbm4b:s10+s2], $0x4000, $0x38;
	[tilespmem:$0x1BA80] =	vst v63  }
0x74: {  	s13 =	sadd.s32 s11, s24  }
0x75: {  	[tilespmem:s2], [sflag:$0x1] =	stream.linear.gather [hbm4b:s13+s2], $0x100, $0x38;
	[tilespmem:$0x1BA80] =	vst v63  }
0x76: {  	_ =	swait.ge [sflag:s5], $0x4000  }
0x77: {  	[sflag:s5] =	ssyncset.done $0x0  }
0x78: {  	[sflag:s5] =	ssyncadd.s32 $0xFFFFC000  }
0x79: {  	_ =	swait.ge [sflag:s5], $0x100  }
0x7a: {  	[sflag:s5] =	ssyncset.done $0x0  }
0x7b: {  	[sflag:s5] =	ssyncadd.s32 $0xFFFFFF00  }
0x7c: {  	[spmem:s1] =	stream.indirect.scatter.add.f32 [tilespmem:s30], [sflag:$0x3], $0x80, s6, s3, $0xb8;
	[tilespmem:$0x1BA80] =	vst v63  }
.Ltmp1:
0x7d: {  	_ =	swait.ge [sflag:s29], $0x4000;
	(pc) =	sbr.rel @p2 .LBB2_4-.Ltmp1, $4  }
0x7e: {  	[sflag:s29] =	ssyncset.done $0x0  }
0x7f: {  	[sflag:s29] =	ssyncadd.s32 $0xFFFFC000  }
0x80: {  	[tilespmem:s30], [sflag:$0x2] =	stream.linear.gather [hbm4b:s9+s2], $0x4000, $0x38;
	[tilespmem:$0x1BA80] =	vst v63  }
0x81: {  	s11 =	sadd.s32 s11, s22;
	s10 =	sadd.s32 $0x1000, s10;
	s9 =	sadd.s32 $0x1000, s9  }
0x82: {  	[tilespmem:s31], [sflag:$0x2] =	stream.linear.gather [hbm4b:s11+s2], $0x100, $0x38;
	[tilespmem:$0x1BA80] =	vst v63  }
0x83: {  	_ =	swait.ge [sflag:s0], $0x4000  }
0x84: {  	[sflag:s0] =	ssyncset.done $0x0  }
0x85: {  	[sflag:s0] =	ssyncadd.s32 $0xFFFFC000  }
0x86: {  	_ =	swait.ge [sflag:s0], $0x100  }
0x87: {  	[sflag:s0] =	ssyncset.done $0x0  }
0x88: {  	[sflag:s0] =	ssyncadd.s32 $0xFFFFFF00  }
0x89: {  	[spmem:s1] =	stream.indirect.scatter.add.f32 [tilespmem:s28], [sflag:$0x3], $0x80, s3, s3, $0xb8;
	[tilespmem:$0x1BA80] =	vst v63  }
0x8a: {  	_ =	swait.ge [sflag:s29], $0x4000  }
0x8b: {  	[sflag:s29] =	ssyncset.done $0x0  }
0x8c: {  	[sflag:s29] =	ssyncadd.s32 $0xFFFFC000  }
0x8d: {  	[tilespmem:s28], [sflag:$0x1] =	stream.linear.gather [hbm4b:s21+s2], $0x4000, $0x38;
	[tilespmem:$0x1BA80] =	vst v63  }
0x8e: {  	s8 =	rddreg [dreg:$0xb]  }
0x8f: {  	[tilespmem:s2], [sflag:$0x1] =	stream.linear.gather [hbm4b:s8+s2], $0x100, $0x38;
	[tilespmem:$0x1BA80] =	vst v63  }
0x90: {  	_ =	swait.ge [sflag:s5], $0x4000  }
0x91: {  	[sflag:s5] =	ssyncset.done $0x0  }
0x92: {  	[sflag:s5] =	ssyncadd.s32 $0xFFFFC000  }
0x93: {  	_ =	swait.ge [sflag:s5], $0x100  }
0x94: {  	[sflag:s5] =	ssyncset.done $0x0  }
0x95: {  	[sflag:s5] =	ssyncadd.s32 $0xFFFFFF00  }
0x96: {  	[spmem:s1] =	stream.indirect.scatter.add.f32 [tilespmem:s30], [sflag:$0x3], $0x80, s6, s3, $0xb8;
	[tilespmem:$0x1BA80] =	vst v63  }
0x97: {  	_ =	swait.ge [sflag:s29], $0x4000  }
0x98: {  	[sflag:s29] =	ssyncset.done $0x0  }
0x99: {  	[sflag:s29] =	ssyncadd.s32 $0xFFFFC000  }
0x9a: {  	[tilespmem:s30], [sflag:$0x2] =	stream.linear.gather [hbm4b:s20+s2], $0x4000, $0x38;
	[tilespmem:$0x1BA80] =	vst v63  }
0x9b: {  	_ = 	snop  }
0x9c: {  	[tilespmem:s31], [sflag:$0x2] =	stream.linear.gather [hbm4b:s12+s2], $0x100, $0x38;
	[tilespmem:$0x1BA80] =	vst v63  }
0x9d: {  	_ =	swait.ge [sflag:s0], $0x4000  }
0x9e: {  	[sflag:s0] =	ssyncset.done $0x0  }
0x9f: {  	[sflag:s0] =	ssyncadd.s32 $0xFFFFC000  }
0xa0: {  	_ =	swait.ge [sflag:s0], $0x100  }
0xa1: {  	[sflag:s0] =	ssyncset.done $0x0  }
0xa2: {  	[sflag:s0] =	ssyncadd.s32 $0xFFFFFF00  }
0xa3: {  	[spmem:s1] =	stream.indirect.scatter.add.f32 [tilespmem:s28], [sflag:$0x3], $0x80, s3, s3, $0xb8;
	[tilespmem:$0x1BA80] =	vst v63  }
0xa4: {  	_ =	swait.ge [sflag:s29], $0x4000  }
0xa5: {  	[sflag:s29] =	ssyncset.done $0x0  }
0xa6: {  	[sflag:s29] =	ssyncadd.s32 $0xFFFFC000  }
0xa7: {  	[tilespmem:s28], [sflag:$0x1] =	stream.linear.gather [hbm4b:s20+s2], $0x4000, $0x38;
	[tilespmem:$0x1BA80] =	vst v63  }
0xa8: {  	_ = 	snop  }
0xa9: {  	[tilespmem:s2], [sflag:$0x1] =	stream.linear.gather [hbm4b:s12+s2], $0x100, $0x38;
	[tilespmem:$0x1BA80] =	vst v63  }
0xaa: {  	_ =	swait.ge [sflag:s5], $0x4000  }
0xab: {  	[sflag:s5] =	ssyncset.done $0x0  }
0xac: {  	[sflag:s5] =	ssyncadd.s32 $0xFFFFC000  }
0xad: {  	_ =	swait.ge [sflag:s5], $0x100  }
0xae: {  	[sflag:s5] =	ssyncset.done $0x0  }
0xaf: {  	[sflag:s5] =	ssyncadd.s32 $0xFFFFFF00  }
0xb0: {  	[spmem:s1] =	stream.indirect.scatter.add.f32 [tilespmem:s30], [sflag:$0x3], $0x80, s6, s3, $0xb8;
	[tilespmem:$0x1BA80] =	vst v63  }
0xb1: {  	_ =	swait.ge [sflag:s29], $0x4000  }
0xb2: {  	[sflag:s29] =	ssyncset.done $0x0  }
0xb3: {  	[sflag:s29] =	ssyncadd.s32 $0xFFFFC000  }
0xb4: {  	[tilespmem:s30], [sflag:$0x2] =	stream.linear.gather [hbm4b:s20+s2], $0x4000, $0x38;
	[tilespmem:$0x1BA80] =	vst v63  }
0xb5: {  	_ = 	snop  }
0xb6: {  	[tilespmem:s31], [sflag:$0x2] =	stream.linear.gather [hbm4b:s12+s2], $0x100, $0x38;
	[tilespmem:$0x1BA80] =	vst v63  }
0xb7: {  	_ =	swait.ge [sflag:s0], $0x4000  }
0xb8: {  	[sflag:s0] =	ssyncset.done $0x0  }
0xb9: {  	[sflag:s0] =	ssyncadd.s32 $0xFFFFC000  }
0xba: {  	_ =	swait.ge [sflag:s0], $0x100  }
0xbb: {  	[sflag:s0] =	ssyncset.done $0x0  }
0xbc: {  	[sflag:s0] =	ssyncadd.s32 $0xFFFFFF00  }
0xbd: {  	_ =	swait.ge [sflag:s5], $0x4000  }
0xbe: {  	[sflag:s5] =	ssyncset.done $0x0  }
0xbf: {  	[sflag:s5] =	ssyncadd.s32 $0xFFFFC000  }
0xc0: {  	_ =	swait.ge [sflag:s5], $0x100  }
0xc1: {  	[sflag:s5] =	ssyncset.done $0x0  }
0xc2: {  	s8 =	simm.s32 @!p1 $0x0;
	s9 =	rddreg [dreg:$0x9];
	[sflag:s5] =	ssyncadd.s32 $0xFFFFFF00  }
0xc3: {  	[tilespmem:s8], [sflag:$0x3] =	stream.linear.gather @!p1 [hbm4b:s9+s8], $0x100, $0x38;
	[tilespmem:$0x1BA80] =	vst v63  }
0xc4: {  	s9 =	simm.s32 @!p1 $0x3  }
0xc5: {  	_ =	swait.ge @!p1 [sflag:s9], $0x100  }
0xc6: {  	[sflag:s9] =	ssyncset.done @!p1 $0x0  }
0xc7: {  	s10 =	simm.s32 @!p1 $0x200;
	[sflag:s9] =	ssyncadd.s32 @!p1 $0xFFFFFF00  }
0xc8: {  	[tilespmem:s10], [sflag:$0x3] =	stream.linear.gather @!p1 [hbm4b:s17+s8], $0x4000, $0x38;
	[tilespmem:$0x1BA80] =	vst v63  }
0xc9: {  	_ =	swait.ge @!p1 [sflag:s9], $0x4000  }
0xca: {  	[sflag:s9] =	ssyncset.done @!p1 $0x0  }
0xcb: {  	s8 =	simm.s32 @!p1 $0x80;
	[sflag:s9] =	ssyncadd.s32 @!p1 $0xFFFFC000  }
0xcc: {  	[spmem:s1] =	stream.indirect.scatter.add.f32 @!p1 [tilespmem:s10], [sflag:$0x3], $0x80, s8, s8, $0xb8;
	[tilespmem:$0x1BA80] =	vst v63  }
0xcd: {  	_ =	swait.ge @!p1 [sflag:s9], $0x4000  }
0xce: {  	[sflag:s9] =	ssyncset.done @!p1 $0x0  }
0xcf: {  	s10 =	stileid.u32;
	[sflag:s9] =	ssyncadd.s32 @!p1 $0xFFFFC000  }
0xd0: {  	s8 =	sshll.u32 s10, $0x6;
	[bflag:$0x0] =	sbarrier.arrive $0xFFFF  }
0xd1: {  	s11 =	sshrl.u32 s4, $0x3;
	s8 =	sor.u32 $0x1C03, s8;
	s13 =	rddreg [dreg:$0xa]  }
0xd2: {  	[hbm:s13], [sflag:s8] =	dma.local [spmem:s11], $0x2700  }
0xd3: {  	_ =	swait.ge [sflag:s29], $0x2700  }
0xd4: {  	s7 =	sadd.s32 $0x1, s7;
	[sflag:s29] =	ssyncset.done $0x0  }
0xd5: {  	p2 =	sne.s32 s7, s19;
	s9 =	sshrl.u32 @!p0 s26, $0x3;
	[sflag:s29] =	ssyncadd.s32 $0xFFFFD900  }
0xd6: {  	[hbm:s18], [sflag:s8] =	dma.local @!p0 [spmem:s9], $0x100  }
.Ltmp2:
0xd7: {  	_ = 	snop;
	(pc) =	sbr.rel @p2 .LBB2_1-.Ltmp2, $4  }
0xd8: {  	s8 =	simm.s32 @!p0 $0x3  }
0xd9: {  	_ =	swait.ge @!p0 [sflag:s8], $0x100  }
0xda: {  	[sflag:s8] =	ssyncset.done @!p0 $0x0  }
0xdb: {  	[sflag:s8] =	ssyncadd.s32 @!p0 $0xFFFFFF00  }
0xdc: {  	_ =	sfence.sel $0x180000  }
0xdd: {  	[bflag:$0x0] =	sbarrier.arrive $0xFFFF  }
0xde: {  	_ =	strace $0x9000004A  }
0xdf: {  	[bflag:$0x2] =	sbarrier.arrive $0xFFFF  }
0xe0: {  	s0 =	rddreg [dreg:$0x3]  }
0xe1: {  	s0 =	sadd.s32 @!p0 $0x100000, s0  }
0xe2: {  	[sflag:s0] =	ssyncadd.tile.s32 @!p0 $0x1;
	_ =	shalt  }
.Lfunc_end2:
_tile_overlayer_lowered:
.L_overlay_start_2:
0xe3: {  	(tag) =	ssettag $0x2  }
0xe4: {  	s0 =	rddreg [dreg:$0x0];
	s2 =	stileid.u32  }
0xe5: {  	s1 =	rddreg [dreg:$0x1];
	p0 =	sne.s32 s2, $0x0  }
0xe6: {  	s3 =	rddreg [dreg:$0x2];
	[bflag:$0x3] =	sbarrier.arrive $0xFFFF;
	s2 =	simm.s32 @!p0 $0x1C03  }
0xe7: {  	[timem:s3], [sflag:s2] =	dma.local @!p0 [hbm:s0], s1  }
0xe8: {  	s0 =	simm.s32 @!p0 $0x3  }
0xe9: {  	_ =	swait.ge @!p0 [sflag:s0], s1  }
0xea: {  	s1 =	ssub.s32 @!p0 $0x0, s1;
	[sflag:s0] =	ssyncset.done @!p0 $0x0  }
0xeb: {  	[sflag:s0] =	ssyncadd.s32 @!p0 s1  }
0xec: {  	[bflag:$0x3] =	sbarrier.arrive $0xFFFF  }
0xed: {  	_ =	shalt  }

</sc_bundles>
